<compile_context>
chip_gen: v7x
topology: tpu7x:2x2x1
jax: 0.10.2.dev20260603
libtpu: 0.0.44.dev20260713+nightly
codegen_flags: <defaults>
</compile_context>

<pallas_src>
import functools

import jax
from jax import lax
from jax.experimental import pallas as pl
from jax.experimental.pallas import tpu as pltpu
from jax.experimental.pallas import tpu_sc as plsc

_TILE = 32
_NBUF = 2
_STREAM_FRAC_NUM = 5
_STREAM_FRAC_DEN = 8


def _sc_broadcast(pos_table, batch, seq, d):
    info = plsc.get_sparse_core_info()
    nw = info.num_cores * info.num_subcores
    ch_src = seq // nw
    ch_st = (ch_src * _STREAM_FRAC_NUM // _STREAM_FRAC_DEN) // _TILE * _TILE
    ch_sp = ch_src - ch_st
    nt_st = ch_st // _TILE
    nt_sp = ch_sp // _TILE
    mesh = plsc.VectorSubcoreMesh(core_axis_name="c", subcore_axis_name="s")

    @functools.partial(
        pl.kernel,
        mesh=mesh,
        out_type=jax.ShapeDtypeStruct((batch * seq, d), pos_table.dtype),
        scratch_types=[
            pltpu.VMEM((_NBUF, _TILE, d), pos_table.dtype),
            pltpu.VMEM_SHARED((info.num_subcores, _NBUF, _TILE, d), pos_table.dtype),
            pltpu.SemaphoreType.DMA((_NBUF,)),
            pltpu.SemaphoreType.DMA((_NBUF,)),
            pltpu.SemaphoreType.DMA((_NBUF,)),
            pltpu.SemaphoreType.DMA((_NBUF,)),
        ],
    )
    def run(table_hbm, out_hbm, buf, shared, in_st, out_st, in_sp, out_sp):
        sid = lax.axis_index("s")
        wid = sid * info.num_cores + lax.axis_index("c")
        src0 = wid * ch_src
        spm0 = src0 + ch_st

        def st_in(t, slot):
            return pltpu.make_async_copy(
                table_hbm.at[pl.ds(src0 + t * _TILE, _TILE)],
                buf.at[slot],
                in_st.at[slot],
            )

        def st_out(t, slot, b):
            return pltpu.make_async_copy(
                buf.at[slot],
                out_hbm.at[pl.ds(b * seq + src0 + t * _TILE, _TILE)],
                out_st.at[slot],
            )

        def sp_in(t, slot):
            return pltpu.make_async_copy(
                table_hbm.at[pl.ds(spm0 + t * _TILE, _TILE)],
                shared.at[sid, slot],
                in_sp.at[slot],
            )

        def sp_out(t, slot, b):
            return pltpu.make_async_copy(
                shared.at[sid, slot],
                out_hbm.at[pl.ds(b * seq + spm0 + t * _TILE, _TILE)],
                out_sp.at[slot],
            )

        st_in(0, 0).start()
        sp_in(0, 0).start()
        nt = max(nt_st, nt_sp)
        for t in range(nt):
            slot = t % _NBUF
            nslot = (t + 1) % _NBUF
            for n, in_copy, out_copy in (
                (nt_st, st_in, st_out),
                (nt_sp, sp_in, sp_out),
            ):
                if t >= n:
                    continue
                in_copy(t, slot).wait()
                for b in range(batch):
                    out_copy(t, slot, b).start()
                if t + 1 < n:
                    if t + 1 >= _NBUF:
                        for b in range(batch):
                            out_copy(t + 1 - _NBUF, nslot, b).wait()
                    in_copy(t + 1, nslot).start()
        for n, out_copy in ((nt_st, st_out), (nt_sp, sp_out)):
            for t in range(max(0, n - _NBUF + 1), n):
                for b in range(batch):
                    out_copy(t, t % _NBUF, b).wait()

    return run(pos_table).reshape(batch, seq, d)


def kernel(x, pos_table):
    batch, seq, _ = x.shape
    d = pos_table.shape[1]
    return _sc_broadcast(pos_table, batch, seq, d)

# --- scband reference (transcript-rebuilt; emitter-appended) ---
"""Pipeline reference for scband-learned-positional-encoding-13572096655892 (READ-ONLY COPY).

The authoritative reference and input builder live on the scoring server;
editing this copy changes nothing except your own understanding.
"""

import jax, jax.numpy as jnp
import numpy as np

MAX_LEN = 8192
D_MODEL = 1024
BATCH = 4
SEQ = 8192


def setup_inputs(seed: int = 0) -> dict:
    key = jax.random.key(seed)
    k1, k2 = jax.random.split(key)
    x = jax.random.normal(k1, (BATCH, SEQ, D_MODEL), dtype=jnp.float32)
    # nn.Embedding weight initialized with std = d_model ** -0.5
    pos_table = jax.random.normal(k2, (MAX_LEN, D_MODEL), dtype=jnp.float32) * (D_MODEL ** -0.5)
    return {"x": x, "pos_table": pos_table}


def reference(x, pos_table):
    batch_size, seq_len = x.shape[0], x.shape[1]
    positions = jnp.arange(seq_len, dtype=jnp.int64 if jax.config.jax_enable_x64 else jnp.int32)
    positions = jnp.broadcast_to(positions[None, :], (batch_size, seq_len))
    # embedding lookup -> gather rows from the positional table
    position_embeddings = jnp.take(pos_table, positions, axis=0)
    return position_embeddings

if __name__ == "__main__":
    import jax
    _d = setup_inputs()
    print(jax.jit(kernel)(*tuple(_d.values())))

</pallas_src>

<mosaic_0001>
#map = affine_map<(d0, d1) -> (0, 0)>
module attributes {stable_mosaic.version = 14 : i64} {
  func.func @run(%arg0: i32, %arg1: i32, %arg2: memref<8192x1024xf32, #tpu.memory_space<hbm>>, %arg3: memref<32768x1024xf32, #tpu.memory_space<hbm>>, %arg4: memref<2x32x1024xf32, #tpu.memory_space<vmem>>, %arg5: memref<16x2x32x1024xf32, #tpu.memory_space<vmem_shared>>, %arg6: memref<2x!tpu.dma_semaphore, #tpu.memory_space<semaphore_mem>>, %arg7: memref<2x!tpu.dma_semaphore, #tpu.memory_space<semaphore_mem>>, %arg8: memref<2x!tpu.dma_semaphore, #tpu.memory_space<semaphore_mem>>, %arg9: memref<2x!tpu.dma_semaphore, #tpu.memory_space<semaphore_mem>>) attributes {dimension_semantics = [#tpu.dimension_semantics<core_parallel>, #tpu.dimension_semantics<subcore_parallel>], iteration_bounds = array<i64: 2, 16>, scalar_prefetch = 0 : i64, scratch_operands = 6 : i64, tpu.core_type = #tpu.core_type<sc_vector_subcore>, window_params = [{transform_indices = #map}, {transform_indices = #map}]} {
    %mul3A = arith.constant 2 : i32
    %mul3A_0 = arith.muli %arg1, %mul3A : i32
    %add3A = arith.addi %mul3A_0, %arg0 : i32
    %mul3A_1 = arith.constant 256 : i32
    %mul3A_2 = arith.muli %add3A, %mul3A_1 : i32
    %add3A_3 = arith.constant 160 : i32
    %add3A_4 = arith.addi %mul3A_2, %add3A_3 : i32
    %add3A_5 = arith.constant 0 : i32
    %add3A_6 = arith.addi %mul3A_2, %add3A_5 : i32
    %dma_start3A = arith.constant 0 : i32
    %dma_start3A_7 = arith.constant 0 : i32
    %dma_start3A_8 = arith.constant 0 : i32
    %dma_start3A_9 = arith.constant 0 : i32
    %dma_start3A_10 = tpu.memref_slice %arg4[%dma_start3A, %dma_start3A_8, %dma_start3A_9] : memref<2x32x1024xf32, #tpu.memory_space<vmem>> -> memref<1x32x1024xf32, #tpu.memory_space<vmem>>
    %dma_start3A_11 = tpu.memref_squeeze %dma_start3A_10 : memref<1x32x1024xf32, #tpu.memory_space<vmem>> -> memref<32x1024xf32, #tpu.memory_space<vmem>>
    %dma_start3A_12 = arith.constant 0 : i32
    %dma_start3A_13 = tpu.memref_slice %arg2[%add3A_6, %dma_start3A_12] : memref<8192x1024xf32, #tpu.memory_space<hbm>> -> memref<32x1024xf32, #tpu.memory_space<hbm>>
    %dma_start3A_14 = tpu.memref_slice %arg6[%dma_start3A_7] : memref<2x!tpu.dma_semaphore, #tpu.memory_space<semaphore_mem>> -> memref<1x!tpu.dma_semaphore, #tpu.memory_space<semaphore_mem>>
    %dma_start3A_15 = tpu.memref_squeeze %dma_start3A_14 : memref<1x!tpu.dma_semaphore, #tpu.memory_space<semaphore_mem>> -> memref<!tpu.dma_semaphore, #tpu.memory_space<semaphore_mem>>
    %dma_start3A_16 = arith.constant 0 : i32
    %dma_start3A_17 = arith.constant 0 : i32
    %dma_start3A_18 = tpu.memref_slice %arg4[%dma_start3A, %dma_start3A_16, %dma_start3A_17] : memref<2x32x1024xf32, #tpu.memory_space<vmem>> -> memref<1x32x1024xf32, #tpu.memory_space<vmem>>
    %dma_start3A_19 = tpu.memref_squeeze %dma_start3A_18 : memref<1x32x1024xf32, #tpu.memory_space<vmem>> -> memref<32x1024xf32, #tpu.memory_space<vmem>>
    %dma_start3A_20 = arith.constant 0 : i32
    %dma_start3A_21 = tpu.memref_slice %arg2[%add3A_6, %dma_start3A_20] : memref<8192x1024xf32, #tpu.memory_space<hbm>> -> memref<32x1024xf32, #tpu.memory_space<hbm>>
    tpu.enqueue_dma source(%dma_start3A_21 : memref<32x1024xf32, #tpu.memory_space<hbm>>) target(%dma_start3A_19 : memref<32x1024xf32, #tpu.memory_space<vmem>>) target_semaphore(%dma_start3A_15 : memref<!tpu.dma_semaphore, #tpu.memory_space<semaphore_mem>>)
    %add3A_22 = arith.constant 0 : i32
    %add3A_23 = arith.addi %add3A_4, %add3A_22 : i32
    %dma_start3A_24 = arith.constant 0 : i32
    %dma_start3A_25 = arith.constant 0 : i32
    %dma_start3A_26 = tpu.memref_slice %arg8[%dma_start3A_25] : memref<2x!tpu.dma_semaphore, #tpu.memory_space<semaphore_mem>> -> memref<1x!tpu.dma_semaphore, #tpu.memory_space<semaphore_mem>>
    %dma_start3A_27 = tpu.memref_squeeze %dma_start3A_26 : memref<1x!tpu.dma_semaphore, #tpu.memory_space<semaphore_mem>> -> memref<!tpu.dma_semaphore, #tpu.memory_space<semaphore_mem>>
    %dma_start3A_28 = arith.constant 0 : i32
    %dma_start3A_29 = arith.constant 0 : i32
    %dma_start3A_30 = tpu.memref_slice %arg5[%arg1, %dma_start3A_24, %dma_start3A_28, %dma_start3A_29] : memref<16x2x32x1024xf32, #tpu.memory_space<vmem_shared>> -> memref<1x1x32x1024xf32, #tpu.memory_space<vmem_shared>>
    %dma_start3A_31 = tpu.memref_squeeze %dma_start3A_30 : memref<1x1x32x1024xf32, #tpu.memory_space<vmem_shared>> -> memref<32x1024xf32, #tpu.memory_space<vmem_shared>>
    %dma_start3A_32 = arith.constant 0 : i32
    %dma_start3A_33 = tpu.memref_slice %arg2[%add3A_23, %dma_start3A_32] : memref<8192x1024xf32, #tpu.memory_space<hbm>> -> memref<32x1024xf32, #tpu.memory_space<hbm>>
    tpu.enqueue_dma source(%dma_start3A_33 : memref<32x1024xf32, #tpu.memory_space<hbm>>) target(%dma_start3A_31 : memref<32x1024xf32, #tpu.memory_space<vmem_shared>>) target_semaphore(%dma_start3A_27 : memref<!tpu.dma_semaphore, #tpu.memory_space<semaphore_mem>>)
    %add3A_34 = arith.constant 0 : i32
    %add3A_35 = arith.addi %mul3A_2, %add3A_34 : i32
    %dma_wait3A = arith.constant 0 : i32
    %dma_wait3A_36 = arith.constant 0 : i32
    %dma_wait3A_37 = arith.constant 0 : i32
    %dma_wait3A_38 = arith.constant 0 : i32
    %dma_wait3A_39 = tpu.memref_slice %arg4[%dma_wait3A, %dma_wait3A_37, %dma_wait3A_38] : memref<2x32x1024xf32, #tpu.memory_space<vmem>> -> memref<1x32x1024xf32, #tpu.memory_space<vmem>>
    %dma_wait3A_40 = tpu.memref_squeeze %dma_wait3A_39 : memref<1x32x1024xf32, #tpu.memory_space<vmem>> -> memref<32x1024xf32, #tpu.memory_space<vmem>>
    %dma_wait3A_41 = arith.constant 0 : i32
    %dma_wait3A_42 = tpu.memref_slice %arg2[%add3A_35, %dma_wait3A_41] : memref<8192x1024xf32, #tpu.memory_space<hbm>> -> memref<32x1024xf32, #tpu.memory_space<hbm>>
    %dma_wait3A_43 = tpu.memref_slice %arg6[%dma_wait3A_36] : memref<2x!tpu.dma_semaphore, #tpu.memory_space<semaphore_mem>> -> memref<1x!tpu.dma_semaphore, #tpu.memory_space<semaphore_mem>>
    %dma_wait3A_44 = tpu.memref_squeeze %dma_wait3A_43 : memref<1x!tpu.dma_semaphore, #tpu.memory_space<semaphore_mem>> -> memref<!tpu.dma_semaphore, #tpu.memory_space<semaphore_mem>>
    %dma_wait3A_45 = arith.constant 0 : i32
    %dma_wait3A_46 = arith.constant 0 : i32
    %dma_wait3A_47 = tpu.memref_slice %arg4[%dma_wait3A, %dma_wait3A_45, %dma_wait3A_46] : memref<2x32x1024xf32, #tpu.memory_space<vmem>> -> memref<1x32x1024xf32, #tpu.memory_space<vmem>>
    %dma_wait3A_48 = tpu.memref_squeeze %dma_wait3A_47 : memref<1x32x1024xf32, #tpu.memory_space<vmem>> -> memref<32x1024xf32, #tpu.memory_space<vmem>>
    %dma_wait3A_49 = arith.constant 0 : i32
    %dma_wait3A_50 = tpu.memref_slice %arg2[%add3A_35, %dma_wait3A_49] : memref<8192x1024xf32, #tpu.memory_space<hbm>> -> memref<32x1024xf32, #tpu.memory_space<hbm>>
    tpu.wait_dma2 semaphore(%dma_wait3A_44 : memref<!tpu.dma_semaphore, #tpu.memory_space<semaphore_mem>>) src(%dma_wait3A_50 : memref<32x1024xf32, #tpu.memory_space<hbm>>) dst(%dma_wait3A_48 : memref<32x1024xf32, #tpu.memory_space<vmem>>)
    %add3A_51 = arith.constant 0 : i32
    %add3A_52 = arith.addi %add3A_51, %mul3A_2 : i32
    %add3A_53 = arith.constant 0 : i32
    %add3A_54 = arith.addi %add3A_52, %add3A_53 : i32
    %dma_start3A_55 = arith.constant 0 : i32
    %dma_start3A_56 = arith.constant 0 : i32
    %dma_start3A_57 = arith.constant 0 : i32
    %dma_start3A_58 = arith.constant 0 : i32
    %dma_start3A_59 = tpu.memref_slice %arg4[%dma_start3A_55, %dma_start3A_57, %dma_start3A_58] : memref<2x32x1024xf32, #tpu.memory_space<vmem>> -> memref<1x32x1024xf32, #tpu.memory_space<vmem>>
    %dma_start3A_60 = tpu.memref_squeeze %dma_start3A_59 : memref<1x32x1024xf32, #tpu.memory_space<vmem>> -> memref<32x1024xf32, #tpu.memory_space<vmem>>
    %dma_start3A_61 = arith.constant 0 : i32
    %dma_start3A_62 = tpu.memref_slice %arg3[%add3A_54, %dma_start3A_61] : memref<32768x1024xf32, #tpu.memory_space<hbm>> -> memref<32x1024xf32, #tpu.memory_space<hbm>>
    %dma_start3A_63 = tpu.memref_slice %arg7[%dma_start3A_56] : memref<2x!tpu.dma_semaphore, #tpu.memory_space<semaphore_mem>> -> memref<1x!tpu.dma_semaphore, #tpu.memory_space<semaphore_mem>>
    %dma_start3A_64 = tpu.memref_squeeze %dma_start3A_63 : memref<1x!tpu.dma_semaphore, #tpu.memory_space<semaphore_mem>> -> memref<!tpu.dma_semaphore, #tpu.memory_space<semaphore_mem>>
    %dma_start3A_65 = arith.constant 0 : i32
    %dma_start3A_66 = tpu.memref_slice %arg3[%add3A_54, %dma_start3A_65] : memref<32768x1024xf32, #tpu.memory_space<hbm>> -> memref<32x1024xf32, #tpu.memory_space<hbm>>
    %dma_start3A_67 = arith.constant 0 : i32
    %dma_start3A_68 = arith.constant 0 : i32
    %dma_start3A_69 = tpu.memref_slice %arg4[%dma_start3A_55, %dma_start3A_67, %dma_start3A_68] : memref<2x32x1024xf32, #tpu.memory_space<vmem>> -> memref<1x32x1024xf32, #tpu.memory_space<vmem>>
    %dma_start3A_70 = tpu.memref_squeeze %dma_start3A_69 : memref<1x32x1024xf32, #tpu.memory_space<vmem>> -> memref<32x1024xf32, #tpu.memory_space<vmem>>
    tpu.enqueue_dma source(%dma_start3A_70 : memref<32x1024xf32, #tpu.memory_space<vmem>>) target(%dma_start3A_66 : memref<32x1024xf32, #tpu.memory_space<hbm>>) target_semaphore(%dma_start3A_64 : memref<!tpu.dma_semaphore, #tpu.memory_space<semaphore_mem>>)
    %add3A_71 = arith.constant 8192 : i32
    %add3A_72 = arith.addi %add3A_71, %mul3A_2 : i32
    %add3A_73 = arith.constant 0 : i32
    %add3A_74 = arith.addi %add3A_72, %add3A_73 : i32
    %dma_start3A_75 = arith.constant 0 : i32
    %dma_start3A_76 = arith.constant 0 : i32
    %dma_start3A_77 = arith.constant 0 : i32
    %dma_start3A_78 = arith.constant 0 : i32
    %dma_start3A_79 = tpu.memref_slice %arg4[%dma_start3A_75, %dma_start3A_77, %dma_start3A_78] : memref<2x32x1024xf32, #tpu.memory_space<vmem>> -> memref<1x32x1024xf32, #tpu.memory_space<vmem>>
    %dma_start3A_80 = tpu.memref_squeeze %dma_start3A_79 : memref<1x32x1024xf32, #tpu.memory_space<vmem>> -> memref<32x1024xf32, #tpu.memory_space<vmem>>
    %dma_start3A_81 = arith.constant 0 : i32
    %dma_start3A_82 = tpu.memref_slice %arg3[%add3A_74, %dma_start3A_81] : memref<32768x1024xf32, #tpu.memory_space<hbm>> -> memref<32x1024xf32, #tpu.memory_space<hbm>>
    %dma_start3A_83 = tpu.memref_slice %arg7[%dma_start3A_76] : memref<2x!tpu.dma_semaphore, #tpu.memory_space<semaphore_mem>> -> memref<1x!tpu.dma_semaphore, #tpu.memory_space<semaphore_mem>>
    %dma_start3A_84 = tpu.memref_squeeze %dma_start3A_83 : memref<1x!tpu.dma_semaphore, #tpu.memory_space<semaphore_mem>> -> memref<!tpu.dma_semaphore, #tpu.memory_space<semaphore_mem>>
    %dma_start3A_85 = arith.constant 0 : i32
    %dma_start3A_86 = tpu.memref_slice %arg3[%add3A_74, %dma_start3A_85] : memref<32768x1024xf32, #tpu.memory_space<hbm>> -> memref<32x1024xf32, #tpu.memory_space<hbm>>
    %dma_start3A_87 = arith.constant 0 : i32
    %dma_start3A_88 = arith.constant 0 : i32
    %dma_start3A_89 = tpu.memref_slice %arg4[%dma_start3A_75, %dma_start3A_87, %dma_start3A_88] : memref<2x32x1024xf32, #tpu.memory_space<vmem>> -> memref<1x32x1024xf32, #tpu.memory_space<vmem>>
    %dma_start3A_90 = tpu.memref_squeeze %dma_start3A_89 : memref<1x32x1024xf32, #tpu.memory_space<vmem>> -> memref<32x1024xf32, #tpu.memory_space<vmem>>
    tpu.enqueue_dma source(%dma_start3A_90 : memref<32x1024xf32, #tpu.memory_space<vmem>>) target(%dma_start3A_86 : memref<32x1024xf32, #tpu.memory_space<hbm>>) target_semaphore(%dma_start3A_84 : memref<!tpu.dma_semaphore, #tpu.memory_space<semaphore_mem>>)
    %add3A_91 = arith.constant 16384 : i32
    %add3A_92 = arith.addi %add3A_91, %mul3A_2 : i32
    %add3A_93 = arith.constant 0 : i32
    %add3A_94 = arith.addi %add3A_92, %add3A_93 : i32
    %dma_start3A_95 = arith.constant 0 : i32
    %dma_start3A_96 = arith.constant 0 : i32
    %dma_start3A_97 = arith.constant 0 : i32
    %dma_start3A_98 = arith.constant 0 : i32
    %dma_start3A_99 = tpu.memref_slice %arg4[%dma_start3A_95, %dma_start3A_97, %dma_start3A_98] : memref<2x32x1024xf32, #tpu.memory_space<vmem>> -> memref<1x32x1024xf32, #tpu.memory_space<vmem>>
    %dma_start3A_100 = tpu.memref_squeeze %dma_start3A_99 : memref<1x32x1024xf32, #tpu.memory_space<vmem>> -> memref<32x1024xf32, #tpu.memory_space<vmem>>
    %dma_start3A_101 = arith.constant 0 : i32
    %dma_start3A_102 = tpu.memref_slice %arg3[%add3A_94, %dma_start3A_101] : memref<32768x1024xf32, #tpu.memory_space<hbm>> -> memref<32x1024xf32, #tpu.memory_space<hbm>>
    %dma_start3A_103 = tpu.memref_slice %arg7[%dma_start3A_96] : memref<2x!tpu.dma_semaphore, #tpu.memory_space<semaphore_mem>> -> memref<1x!tpu.dma_semaphore, #tpu.memory_space<semaphore_mem>>
    %dma_start3A_104 = tpu.memref_squeeze %dma_start3A_103 : memref<1x!tpu.dma_semaphore, #tpu.memory_space<semaphore_mem>> -> memref<!tpu.dma_semaphore, #tpu.memory_space<semaphore_mem>>
    %dma_start3A_105 = arith.constant 0 : i32
    %dma_start3A_106 = tpu.memref_slice %arg3[%add3A_94, %dma_start3A_105] : memref<32768x1024xf32, #tpu.memory_space<hbm>> -> memref<32x1024xf32, #tpu.memory_space<hbm>>
    %dma_start3A_107 = arith.constant 0 : i32
    %dma_start3A_108 = arith.constant 0 : i32
    %dma_start3A_109 = tpu.memref_slice %arg4[%dma_start3A_95, %dma_start3A_107, %dma_start3A_108] : memref<2x32x1024xf32, #tpu.memory_space<vmem>> -> memref<1x32x1024xf32, #tpu.memory_space<vmem>>
    %dma_start3A_110 = tpu.memref_squeeze %dma_start3A_109 : memref<1x32x1024xf32, #tpu.memory_space<vmem>> -> memref<32x1024xf32, #tpu.memory_space<vmem>>
    tpu.enqueue_dma source(%dma_start3A_110 : memref<32x1024xf32, #tpu.memory_space<vmem>>) target(%dma_start3A_106 : memref<32x1024xf32, #tpu.memory_space<hbm>>) target_semaphore(%dma_start3A_104 : memref<!tpu.dma_semaphore, #tpu.memory_space<semaphore_mem>>)
    %add3A_111 = arith.constant 24576 : i32
    %add3A_112 = arith.addi %add3A_111, %mul3A_2 : i32
    %add3A_113 = arith.constant 0 : i32
    %add3A_114 = arith.addi %add3A_112, %add3A_113 : i32
    %dma_start3A_115 = arith.constant 0 : i32
    %dma_start3A_116 = arith.constant 0 : i32
    %dma_start3A_117 = arith.constant 0 : i32
    %dma_start3A_118 = arith.constant 0 : i32
    %dma_start3A_119 = tpu.memref_slice %arg4[%dma_start3A_115, %dma_start3A_117, %dma_start3A_118] : memref<2x32x1024xf32, #tpu.memory_space<vmem>> -> memref<1x32x1024xf32, #tpu.memory_space<vmem>>
    %dma_start3A_120 = tpu.memref_squeeze %dma_start3A_119 : memref<1x32x1024xf32, #tpu.memory_space<vmem>> -> memref<32x1024xf32, #tpu.memory_space<vmem>>
    %dma_start3A_121 = arith.constant 0 : i32
    %dma_start3A_122 = tpu.memref_slice %arg3[%add3A_114, %dma_start3A_121] : memref<32768x1024xf32, #tpu.memory_space<hbm>> -> memref<32x1024xf32, #tpu.memory_space<hbm>>
    %dma_start3A_123 = tpu.memref_slice %arg7[%dma_start3A_116] : memref<2x!tpu.dma_semaphore, #tpu.memory_space<semaphore_mem>> -> memref<1x!tpu.dma_semaphore, #tpu.memory_space<semaphore_mem>>
    %dma_start3A_124 = tpu.memref_squeeze %dma_start3A_123 : memref<1x!tpu.dma_semaphore, #tpu.memory_space<semaphore_mem>> -> memref<!tpu.dma_semaphore, #tpu.memory_space<semaphore_mem>>
    %dma_start3A_125 = arith.constant 0 : i32
    %dma_start3A_126 = tpu.memref_slice %arg3[%add3A_114, %dma_start3A_125] : memref<32768x1024xf32, #tpu.memory_space<hbm>> -> memref<32x1024xf32, #tpu.memory_space<hbm>>
    %dma_start3A_127 = arith.constant 0 : i32
    %dma_start3A_128 = arith.constant 0 : i32
    %dma_start3A_129 = tpu.memref_slice %arg4[%dma_start3A_115, %dma_start3A_127, %dma_start3A_128] : memref<2x32x1024xf32, #tpu.memory_space<vmem>> -> memref<1x32x1024xf32, #tpu.memory_space<vmem>>
    %dma_start3A_130 = tpu.memref_squeeze %dma_start3A_129 : memref<1x32x1024xf32, #tpu.memory_space<vmem>> -> memref<32x1024xf32, #tpu.memory_space<vmem>>
    tpu.enqueue_dma source(%dma_start3A_130 : memref<32x1024xf32, #tpu.memory_space<vmem>>) target(%dma_start3A_126 : memref<32x1024xf32, #tpu.memory_space<hbm>>) target_semaphore(%dma_start3A_124 : memref<!tpu.dma_semaphore, #tpu.memory_space<semaphore_mem>>)
    %add3A_131 = arith.constant 32 : i32
    %add3A_132 = arith.addi %mul3A_2, %add3A_131 : i32
    %dma_start3A_133 = arith.constant 1 : i32
    %dma_start3A_134 = arith.constant 1 : i32
    %dma_start3A_135 = arith.constant 0 : i32
    %dma_start3A_136 = arith.constant 0 : i32
    %dma_start3A_137 = tpu.memref_slice %arg4[%dma_start3A_133, %dma_start3A_135, %dma_start3A_136] : memref<2x32x1024xf32, #tpu.memory_space<vmem>> -> memref<1x32x1024xf32, #tpu.memory_space<vmem>>
    %dma_start3A_138 = tpu.memref_squeeze %dma_start3A_137 : memref<1x32x1024xf32, #tpu.memory_space<vmem>> -> memref<32x1024xf32, #tpu.memory_space<vmem>>
    %dma_start3A_139 = arith.constant 0 : i32
    %dma_start3A_140 = tpu.memref_slice %arg2[%add3A_132, %dma_start3A_139] : memref<8192x1024xf32, #tpu.memory_space<hbm>> -> memref<32x1024xf32, #tpu.memory_space<hbm>>
    %dma_start3A_141 = tpu.memref_slice %arg6[%dma_start3A_134] : memref<2x!tpu.dma_semaphore, #tpu.memory_space<semaphore_mem>> -> memref<1x!tpu.dma_semaphore, #tpu.memory_space<semaphore_mem>>
    %dma_start3A_142 = tpu.memref_squeeze %dma_start3A_141 : memref<1x!tpu.dma_semaphore, #tpu.memory_space<semaphore_mem>> -> memref<!tpu.dma_semaphore, #tpu.memory_space<semaphore_mem>>
    %dma_start3A_143 = arith.constant 0 : i32
    %dma_start3A_144 = arith.constant 0 : i32
    %dma_start3A_145 = tpu.memref_slice %arg4[%dma_start3A_133, %dma_start3A_143, %dma_start3A_144] : memref<2x32x1024xf32, #tpu.memory_space<vmem>> -> memref<1x32x1024xf32, #tpu.memory_space<vmem>>
    %dma_start3A_146 = tpu.memref_squeeze %dma_start3A_145 : memref<1x32x1024xf32, #tpu.memory_space<vmem>> -> memref<32x1024xf32, #tpu.memory_space<vmem>>
    %dma_start3A_147 = arith.constant 0 : i32
    %dma_start3A_148 = tpu.memref_slice %arg2[%add3A_132, %dma_start3A_147] : memref<8192x1024xf32, #tpu.memory_space<hbm>> -> memref<32x1024xf32, #tpu.memory_space<hbm>>
    tpu.enqueue_dma source(%dma_start3A_148 : memref<32x1024xf32, #tpu.memory_space<hbm>>) target(%dma_start3A_146 : memref<32x1024xf32, #tpu.memory_space<vmem>>) target_semaphore(%dma_start3A_142 : memref<!tpu.dma_semaphore, #tpu.memory_space<semaphore_mem>>)
    %add3A_149 = arith.constant 0 : i32
    %add3A_150 = arith.addi %add3A_4, %add3A_149 : i32
    %dma_wait3A_151 = arith.constant 0 : i32
    %dma_wait3A_152 = arith.constant 0 : i32
    %dma_wait3A_153 = tpu.memref_slice %arg8[%dma_wait3A_152] : memref<2x!tpu.dma_semaphore, #tpu.memory_space<semaphore_mem>> -> memref<1x!tpu.dma_semaphore, #tpu.memory_space<semaphore_mem>>
    %dma_wait3A_154 = tpu.memref_squeeze %dma_wait3A_153 : memref<1x!tpu.dma_semaphore, #tpu.memory_space<semaphore_mem>> -> memref<!tpu.dma_semaphore, #tpu.memory_space<semaphore_mem>>
    %dma_wait3A_155 = arith.constant 0 : i32
    %dma_wait3A_156 = arith.constant 0 : i32
    %dma_wait3A_157 = tpu.memref_slice %arg5[%arg1, %dma_wait3A_151, %dma_wait3A_155, %dma_wait3A_156] : memref<16x2x32x1024xf32, #tpu.memory_space<vmem_shared>> -> memref<1x1x32x1024xf32, #tpu.memory_space<vmem_shared>>
    %dma_wait3A_158 = tpu.memref_squeeze %dma_wait3A_157 : memref<1x1x32x1024xf32, #tpu.memory_space<vmem_shared>> -> memref<32x1024xf32, #tpu.memory_space<vmem_shared>>
    %dma_wait3A_159 = arith.constant 0 : i32
    %dma_wait3A_160 = tpu.memref_slice %arg2[%add3A_150, %dma_wait3A_159] : memref<8192x1024xf32, #tpu.memory_space<hbm>> -> memref<32x1024xf32, #tpu.memory_space<hbm>>
    tpu.wait_dma2 semaphore(%dma_wait3A_154 : memref<!tpu.dma_semaphore, #tpu.memory_space<semaphore_mem>>) src(%dma_wait3A_160 : memref<32x1024xf32, #tpu.memory_space<hbm>>) dst(%dma_wait3A_158 : memref<32x1024xf32, #tpu.memory_space<vmem_shared>>)
    %add3A_161 = arith.constant 0 : i32
    %add3A_162 = arith.addi %add3A_161, %add3A_4 : i32
    %add3A_163 = arith.constant 0 : i32
    %add3A_164 = arith.addi %add3A_162, %add3A_163 : i32
    %dma_start3A_165 = arith.constant 0 : i32
    %dma_start3A_166 = arith.constant 0 : i32
    %dma_start3A_167 = tpu.memref_slice %arg9[%dma_start3A_166] : memref<2x!tpu.dma_semaphore, #tpu.memory_space<semaphore_mem>> -> memref<1x!tpu.dma_semaphore, #tpu.memory_space<semaphore_mem>>
    %dma_start3A_168 = tpu.memref_squeeze %dma_start3A_167 : memref<1x!tpu.dma_semaphore, #tpu.memory_space<semaphore_mem>> -> memref<!tpu.dma_semaphore, #tpu.memory_space<semaphore_mem>>
    %dma_start3A_169 = arith.constant 0 : i32
    %dma_start3A_170 = tpu.memref_slice %arg3[%add3A_164, %dma_start3A_169] : memref<32768x1024xf32, #tpu.memory_space<hbm>> -> memref<32x1024xf32, #tpu.memory_space<hbm>>
    %dma_start3A_171 = arith.constant 0 : i32
    %dma_start3A_172 = arith.constant 0 : i32
    %dma_start3A_173 = tpu.memref_slice %arg5[%arg1, %dma_start3A_165, %dma_start3A_171, %dma_start3A_172] : memref<16x2x32x1024xf32, #tpu.memory_space<vmem_shared>> -> memref<1x1x32x1024xf32, #tpu.memory_space<vmem_shared>>
    %dma_start3A_174 = tpu.memref_squeeze %dma_start3A_173 : memref<1x1x32x1024xf32, #tpu.memory_space<vmem_shared>> -> memref<32x1024xf32, #tpu.memory_space<vmem_shared>>
    tpu.enqueue_dma source(%dma_start3A_174 : memref<32x1024xf32, #tpu.memory_space<vmem_shared>>) target(%dma_start3A_170 : memref<32x1024xf32, #tpu.memory_space<hbm>>) target_semaphore(%dma_start3A_168 : memref<!tpu.dma_semaphore, #tpu.memory_space<semaphore_mem>>)
    %add3A_175 = arith.constant 8192 : i32
    %add3A_176 = arith.addi %add3A_175, %add3A_4 : i32
    %add3A_177 = arith.constant 0 : i32
    %add3A_178 = arith.addi %add3A_176, %add3A_177 : i32
    %dma_start3A_179 = arith.constant 0 : i32
    %dma_start3A_180 = arith.constant 0 : i32
    %dma_start3A_181 = tpu.memref_slice %arg9[%dma_start3A_180] : memref<2x!tpu.dma_semaphore, #tpu.memory_space<semaphore_mem>> -> memref<1x!tpu.dma_semaphore, #tpu.memory_space<semaphore_mem>>
    %dma_start3A_182 = tpu.memref_squeeze %dma_start3A_181 : memref<1x!tpu.dma_semaphore, #tpu.memory_space<semaphore_mem>> -> memref<!tpu.dma_semaphore, #tpu.memory_space<semaphore_mem>>
    %dma_start3A_183 = arith.constant 0 : i32
    %dma_start3A_184 = tpu.memref_slice %arg3[%add3A_178, %dma_start3A_183] : memref<32768x1024xf32, #tpu.memory_space<hbm>> -> memref<32x1024xf32, #tpu.memory_space<hbm>>
    %dma_start3A_185 = arith.constant 0 : i32
    %dma_start3A_186 = arith.constant 0 : i32
    %dma_start3A_187 = tpu.memref_slice %arg5[%arg1, %dma_start3A_179, %dma_start3A_185, %dma_start3A_186] : memref<16x2x32x1024xf32, #tpu.memory_space<vmem_shared>> -> memref<1x1x32x1024xf32, #tpu.memory_space<vmem_shared>>
    %dma_start3A_188 = tpu.memref_squeeze %dma_start3A_187 : memref<1x1x32x1024xf32, #tpu.memory_space<vmem_shared>> -> memref<32x1024xf32, #tpu.memory_space<vmem_shared>>
    tpu.enqueue_dma source(%dma_start3A_188 : memref<32x1024xf32, #tpu.memory_space<vmem_shared>>) target(%dma_start3A_184 : memref<32x1024xf32, #tpu.memory_space<hbm>>) target_semaphore(%dma_start3A_182 : memref<!tpu.dma_semaphore, #tpu.memory_space<semaphore_mem>>)
    %add3A_189 = arith.constant 16384 : i32
    %add3A_190 = arith.addi %add3A_189, %add3A_4 : i32
    %add3A_191 = arith.constant 0 : i32
    %add3A_192 = arith.addi %add3A_190, %add3A_191 : i32
    %dma_start3A_193 = arith.constant 0 : i32
    %dma_start3A_194 = arith.constant 0 : i32
    %dma_start3A_195 = tpu.memref_slice %arg9[%dma_start3A_194] : memref<2x!tpu.dma_semaphore, #tpu.memory_space<semaphore_mem>> -> memref<1x!tpu.dma_semaphore, #tpu.memory_space<semaphore_mem>>
    %dma_start3A_196 = tpu.memref_squeeze %dma_start3A_195 : memref<1x!tpu.dma_semaphore, #tpu.memory_space<semaphore_mem>> -> memref<!tpu.dma_semaphore, #tpu.memory_space<semaphore_mem>>
    %dma_start3A_197 = arith.constant 0 : i32
    %dma_start3A_198 = tpu.memref_slice %arg3[%add3A_192, %dma_start3A_197] : memref<32768x1024xf32, #tpu.memory_space<hbm>> -> memref<32x1024xf32, #tpu.memory_space<hbm>>
    %dma_start3A_199 = arith.constant 0 : i32
    %dma_start3A_200 = arith.constant 0 : i32
    %dma_start3A_201 = tpu.memref_slice %arg5[%arg1, %dma_start3A_193, %dma_start3A_199, %dma_start3A_200] : memref<16x2x32x1024xf32, #tpu.memory_space<vmem_shared>> -> memref<1x1x32x1024xf32, #tpu.memory_space<vmem_shared>>
    %dma_start3A_202 = tpu.memref_squeeze %dma_start3A_201 : memref<1x1x32x1024xf32, #tpu.memory_space<vmem_shared>> -> memref<32x1024xf32, #tpu.memory_space<vmem_shared>>
    tpu.enqueue_dma source(%dma_start3A_202 : memref<32x1024xf32, #tpu.memory_space<vmem_shared>>) target(%dma_start3A_198 : memref<32x1024xf32, #tpu.memory_space<hbm>>) target_semaphore(%dma_start3A_196 : memref<!tpu.dma_semaphore, #tpu.memory_space<semaphore_mem>>)
    %add3A_203 = arith.constant 24576 : i32
    %add3A_204 = arith.addi %add3A_203, %add3A_4 : i32
    %add3A_205 = arith.constant 0 : i32
    %add3A_206 = arith.addi %add3A_204, %add3A_205 : i32
    %dma_start3A_207 = arith.constant 0 : i32
    %dma_start3A_208 = arith.constant 0 : i32
    %dma_start3A_209 = tpu.memref_slice %arg9[%dma_start3A_208] : memref<2x!tpu.dma_semaphore, #tpu.memory_space<semaphore_mem>> -> memref<1x!tpu.dma_semaphore, #tpu.memory_space<semaphore_mem>>
    %dma_start3A_210 = tpu.memref_squeeze %dma_start3A_209 : memref<1x!tpu.dma_semaphore, #tpu.memory_space<semaphore_mem>> -> memref<!tpu.dma_semaphore, #tpu.memory_space<semaphore_mem>>
    %dma_start3A_211 = arith.constant 0 : i32
    %dma_start3A_212 = tpu.memref_slice %arg3[%add3A_206, %dma_start3A_211] : memref<32768x1024xf32, #tpu.memory_space<hbm>> -> memref<32x1024xf32, #tpu.memory_space<hbm>>
    %dma_start3A_213 = arith.constant 0 : i32
    %dma_start3A_214 = arith.constant 0 : i32
    %dma_start3A_215 = tpu.memref_slice %arg5[%arg1, %dma_start3A_207, %dma_start3A_213, %dma_start3A_214] : memref<16x2x32x1024xf32, #tpu.memory_space<vmem_shared>> -> memref<1x1x32x1024xf32, #tpu.memory_space<vmem_shared>>
    %dma_start3A_216 = tpu.memref_squeeze %dma_start3A_215 : memref<1x1x32x1024xf32, #tpu.memory_space<vmem_shared>> -> memref<32x1024xf32, #tpu.memory_space<vmem_shared>>
    tpu.enqueue_dma source(%dma_start3A_216 : memref<32x1024xf32, #tpu.memory_space<vmem_shared>>) target(%dma_start3A_212 : memref<32x1024xf32, #tpu.memory_space<hbm>>) target_semaphore(%dma_start3A_210 : memref<!tpu.dma_semaphore, #tpu.memory_space<semaphore_mem>>)
    %add3A_217 = arith.constant 32 : i32
    %add3A_218 = arith.addi %add3A_4, %add3A_217 : i32
    %dma_start3A_219 = arith.constant 1 : i32
    %dma_start3A_220 = arith.constant 1 : i32
    %dma_start3A_221 = tpu.memref_slice %arg8[%dma_start3A_220] : memref<2x!tpu.dma_semaphore, #tpu.memory_space<semaphore_mem>> -> memref<1x!tpu.dma_semaphore, #tpu.memory_space<semaphore_mem>>
    %dma_start3A_222 = tpu.memref_squeeze %dma_start3A_221 : memref<1x!tpu.dma_semaphore, #tpu.memory_space<semaphore_mem>> -> memref<!tpu.dma_semaphore, #tpu.memory_space<semaphore_mem>>
    %dma_start3A_223 = arith.constant 0 : i32
    %dma_start3A_224 = arith.constant 0 : i32
    %dma_start3A_225 = tpu.memref_slice %arg5[%arg1, %dma_start3A_219, %dma_start3A_223, %dma_start3A_224] : memref<16x2x32x1024xf32, #tpu.memory_space<vmem_shared>> -> memref<1x1x32x1024xf32, #tpu.memory_space<vmem_shared>>
    %dma_start3A_226 = tpu.memref_squeeze %dma_start3A_225 : memref<1x1x32x1024xf32, #tpu.memory_space<vmem_shared>> -> memref<32x1024xf32, #tpu.memory_space<vmem_shared>>
    %dma_start3A_227 = arith.constant 0 : i32
    %dma_start3A_228 = tpu.memref_slice %arg2[%add3A_218, %dma_start3A_227] : memref<8192x1024xf32, #tpu.memory_space<hbm>> -> memref<32x1024xf32, #tpu.memory_space<hbm>>
    tpu.enqueue_dma source(%dma_start3A_228 : memref<32x1024xf32, #tpu.memory_space<hbm>>) target(%dma_start3A_226 : memref<32x1024xf32, #tpu.memory_space<vmem_shared>>) target_semaphore(%dma_start3A_222 : memref<!tpu.dma_semaphore, #tpu.memory_space<semaphore_mem>>)
    %add3A_229 = arith.constant 32 : i32
    %add3A_230 = arith.addi %mul3A_2, %add3A_229 : i32
    %dma_wait3A_231 = arith.constant 1 : i32
    %dma_wait3A_232 = arith.constant 1 : i32
    %dma_wait3A_233 = arith.constant 0 : i32
    %dma_wait3A_234 = arith.constant 0 : i32
    %dma_wait3A_235 = tpu.memref_slice %arg4[%dma_wait3A_231, %dma_wait3A_233, %dma_wait3A_234] : memref<2x32x1024xf32, #tpu.memory_space<vmem>> -> memref<1x32x1024xf32, #tpu.memory_space<vmem>>
    %dma_wait3A_236 = tpu.memref_squeeze %dma_wait3A_235 : memref<1x32x1024xf32, #tpu.memory_space<vmem>> -> memref<32x1024xf32, #tpu.memory_space<vmem>>
    %dma_wait3A_237 = arith.constant 0 : i32
    %dma_wait3A_238 = tpu.memref_slice %arg2[%add3A_230, %dma_wait3A_237] : memref<8192x1024xf32, #tpu.memory_space<hbm>> -> memref<32x1024xf32, #tpu.memory_space<hbm>>
    %dma_wait3A_239 = tpu.memref_slice %arg6[%dma_wait3A_232] : memref<2x!tpu.dma_semaphore, #tpu.memory_space<semaphore_mem>> -> memref<1x!tpu.dma_semaphore, #tpu.memory_space<semaphore_mem>>
    %dma_wait3A_240 = tpu.memref_squeeze %dma_wait3A_239 : memref<1x!tpu.dma_semaphore, #tpu.memory_space<semaphore_mem>> -> memref<!tpu.dma_semaphore, #tpu.memory_space<semaphore_mem>>
    %dma_wait3A_241 = arith.constant 0 : i32
    %dma_wait3A_242 = arith.constant 0 : i32
    %dma_wait3A_243 = tpu.memref_slice %arg4[%dma_wait3A_231, %dma_wait3A_241, %dma_wait3A_242] : memref<2x32x1024xf32, #tpu.memory_space<vmem>> -> memref<1x32x1024xf32, #tpu.memory_space<vmem>>
    %dma_wait3A_244 = tpu.memref_squeeze %dma_wait3A_243 : memref<1x32x1024xf32, #tpu.memory_space<vmem>> -> memref<32x1024xf32, #tpu.memory_space<vmem>>
    %dma_wait3A_245 = arith.constant 0 : i32
    %dma_wait3A_246 = tpu.memref_slice %arg2[%add3A_230, %dma_wait3A_245] : memref<8192x1024xf32, #tpu.memory_space<hbm>> -> memref<32x1024xf32, #tpu.memory_space<hbm>>
    tpu.wait_dma2 semaphore(%dma_wait3A_240 : memref<!tpu.dma_semaphore, #tpu.memory_space<semaphore_mem>>) src(%dma_wait3A_246 : memref<32x1024xf32, #tpu.memory_space<hbm>>) dst(%dma_wait3A_244 : memref<32x1024xf32, #tpu.memory_space<vmem>>)
    %add3A_247 = arith.constant 0 : i32
    %add3A_248 = arith.addi %add3A_247, %mul3A_2 : i32
    %add3A_249 = arith.constant 32 : i32
    %add3A_250 = arith.addi %add3A_248, %add3A_249 : i32
    %dma_start3A_251 = arith.constant 1 : i32
    %dma_start3A_252 = arith.constant 1 : i32
    %dma_start3A_253 = arith.constant 0 : i32
    %dma_start3A_254 = arith.constant 0 : i32
    %dma_start3A_255 = tpu.memref_slice %arg4[%dma_start3A_251, %dma_start3A_253, %dma_start3A_254] : memref<2x32x1024xf32, #tpu.memory_space<vmem>> -> memref<1x32x1024xf32, #tpu.memory_space<vmem>>
    %dma_start3A_256 = tpu.memref_squeeze %dma_start3A_255 : memref<1x32x1024xf32, #tpu.memory_space<vmem>> -> memref<32x1024xf32, #tpu.memory_space<vmem>>
    %dma_start3A_257 = arith.constant 0 : i32
    %dma_start3A_258 = tpu.memref_slice %arg3[%add3A_250, %dma_start3A_257] : memref<32768x1024xf32, #tpu.memory_space<hbm>> -> memref<32x1024xf32, #tpu.memory_space<hbm>>
    %dma_start3A_259 = tpu.memref_slice %arg7[%dma_start3A_252] : memref<2x!tpu.dma_semaphore, #tpu.memory_space<semaphore_mem>> -> memref<1x!tpu.dma_semaphore, #tpu.memory_space<semaphore_mem>>
    %dma_start3A_260 = tpu.memref_squeeze %dma_start3A_259 : memref<1x!tpu.dma_semaphore, #tpu.memory_space<semaphore_mem>> -> memref<!tpu.dma_semaphore, #tpu.memory_space<semaphore_mem>>
    %dma_start3A_261 = arith.constant 0 : i32
    %dma_start3A_262 = tpu.memref_slice %arg3[%add3A_250, %dma_start3A_261] : memref<32768x1024xf32, #tpu.memory_space<hbm>> -> memref<32x1024xf32, #tpu.memory_space<hbm>>
    %dma_start3A_263 = arith.constant 0 : i32
    %dma_start3A_264 = arith.constant 0 : i32
    %dma_start3A_265 = tpu.memref_slice %arg4[%dma_start3A_251, %dma_start3A_263, %dma_start3A_264] : memref<2x32x1024xf32, #tpu.memory_space<vmem>> -> memref<1x32x1024xf32, #tpu.memory_space<vmem>>
    %dma_start3A_266 = tpu.memref_squeeze %dma_start3A_265 : memref<1x32x1024xf32, #tpu.memory_space<vmem>> -> memref<32x1024xf32, #tpu.memory_space<vmem>>
    tpu.enqueue_dma source(%dma_start3A_266 : memref<32x1024xf32, #tpu.memory_space<vmem>>) target(%dma_start3A_262 : memref<32x1024xf32, #tpu.memory_space<hbm>>) target_semaphore(%dma_start3A_260 : memref<!tpu.dma_semaphore, #tpu.memory_space<semaphore_mem>>)
    %add3A_267 = arith.constant 8192 : i32
    %add3A_268 = arith.addi %add3A_267, %mul3A_2 : i32
    %add3A_269 = arith.constant 32 : i32
    %add3A_270 = arith.addi %add3A_268, %add3A_269 : i32
    %dma_start3A_271 = arith.constant 1 : i32
    %dma_start3A_272 = arith.constant 1 : i32
    %dma_start3A_273 = arith.constant 0 : i32
    %dma_start3A_274 = arith.constant 0 : i32
    %dma_start3A_275 = tpu.memref_slice %arg4[%dma_start3A_271, %dma_start3A_273, %dma_start3A_274] : memref<2x32x1024xf32, #tpu.memory_space<vmem>> -> memref<1x32x1024xf32, #tpu.memory_space<vmem>>
    %dma_start3A_276 = tpu.memref_squeeze %dma_start3A_275 : memref<1x32x1024xf32, #tpu.memory_space<vmem>> -> memref<32x1024xf32, #tpu.memory_space<vmem>>
    %dma_start3A_277 = arith.constant 0 : i32
    %dma_start3A_278 = tpu.memref_slice %arg3[%add3A_270, %dma_start3A_277] : memref<32768x1024xf32, #tpu.memory_space<hbm>> -> memref<32x1024xf32, #tpu.memory_space<hbm>>
    %dma_start3A_279 = tpu.memref_slice %arg7[%dma_start3A_272] : memref<2x!tpu.dma_semaphore, #tpu.memory_space<semaphore_mem>> -> memref<1x!tpu.dma_semaphore, #tpu.memory_space<semaphore_mem>>
    %dma_start3A_280 = tpu.memref_squeeze %dma_start3A_279 : memref<1x!tpu.dma_semaphore, #tpu.memory_space<semaphore_mem>> -> memref<!tpu.dma_semaphore, #tpu.memory_space<semaphore_mem>>
    %dma_start3A_281 = arith.constant 0 : i32
    %dma_start3A_282 = tpu.memref_slice %arg3[%add3A_270, %dma_start3A_281] : memref<32768x1024xf32, #tpu.memory_space<hbm>> -> memref<32x1024xf32, #tpu.memory_space<hbm>>
    %dma_start3A_283 = arith.constant 0 : i32
    %dma_start3A_284 = arith.constant 0 : i32
    %dma_start3A_285 = tpu.memref_slice %arg4[%dma_start3A_271, %dma_start3A_283, %dma_start3A_284] : memref<2x32x1024xf32, #tpu.memory_space<vmem>> -> memref<1x32x1024xf32, #tpu.memory_space<vmem>>
    %dma_start3A_286 = tpu.memref_squeeze %dma_start3A_285 : memref<1x32x1024xf32, #tpu.memory_space<vmem>> -> memref<32x1024xf32, #tpu.memory_space<vmem>>
    tpu.enqueue_dma source(%dma_start3A_286 : memref<32x1024xf32, #tpu.memory_space<vmem>>) target(%dma_start3A_282 : memref<32x1024xf32, #tpu.memory_space<hbm>>) target_semaphore(%dma_start3A_280 : memref<!tpu.dma_semaphore, #tpu.memory_space<semaphore_mem>>)
    %add3A_287 = arith.constant 16384 : i32
    %add3A_288 = arith.addi %add3A_287, %mul3A_2 : i32
    %add3A_289 = arith.constant 32 : i32
    %add3A_290 = arith.addi %add3A_288, %add3A_289 : i32
    %dma_start3A_291 = arith.constant 1 : i32
    %dma_start3A_292 = arith.constant 1 : i32
    %dma_start3A_293 = arith.constant 0 : i32
    %dma_start3A_294 = arith.constant 0 : i32
    %dma_start3A_295 = tpu.memref_slice %arg4[%dma_start3A_291, %dma_start3A_293, %dma_start3A_294] : memref<2x32x1024xf32, #tpu.memory_space<vmem>> -> memref<1x32x1024xf32, #tpu.memory_space<vmem>>
    %dma_start3A_296 = tpu.memref_squeeze %dma_start3A_295 : memref<1x32x1024xf32, #tpu.memory_space<vmem>> -> memref<32x1024xf32, #tpu.memory_space<vmem>>
    %dma_start3A_297 = arith.constant 0 : i32
    %dma_start3A_298 = tpu.memref_slice %arg3[%add3A_290, %dma_start3A_297] : memref<32768x1024xf32, #tpu.memory_space<hbm>> -> memref<32x1024xf32, #tpu.memory_space<hbm>>
    %dma_start3A_299 = tpu.memref_slice %arg7[%dma_start3A_292] : memref<2x!tpu.dma_semaphore, #tpu.memory_space<semaphore_mem>> -> memref<1x!tpu.dma_semaphore, #tpu.memory_space<semaphore_mem>>
    %dma_start3A_300 = tpu.memref_squeeze %dma_start3A_299 : memref<1x!tpu.dma_semaphore, #tpu.memory_space<semaphore_mem>> -> memref<!tpu.dma_semaphore, #tpu.memory_space<semaphore_mem>>
    %dma_start3A_301 = arith.constant 0 : i32
    %dma_start3A_302 = tpu.memref_slice %arg3[%add3A_290, %dma_start3A_301] : memref<32768x1024xf32, #tpu.memory_space<hbm>> -> memref<32x1024xf32, #tpu.memory_space<hbm>>
    %dma_start3A_303 = arith.constant 0 : i32
    %dma_start3A_304 = arith.constant 0 : i32
    %dma_start3A_305 = tpu.memref_slice %arg4[%dma_start3A_291, %dma_start3A_303, %dma_start3A_304] : memref<2x32x1024xf32, #tpu.memory_space<vmem>> -> memref<1x32x1024xf32, #tpu.memory_space<vmem>>
    %dma_start3A_306 = tpu.memref_squeeze %dma_start3A_305 : memref<1x32x1024xf32, #tpu.memory_space<vmem>> -> memref<32x1024xf32, #tpu.memory_space<vmem>>
    tpu.enqueue_dma source(%dma_start3A_306 : memref<32x1024xf32, #tpu.memory_space<vmem>>) target(%dma_start3A_302 : memref<32x1024xf32, #tpu.memory_space<hbm>>) target_semaphore(%dma_start3A_300 : memref<!tpu.dma_semaphore, #tpu.memory_space<semaphore_mem>>)
    %add3A_307 = arith.constant 24576 : i32
    %add3A_308 = arith.addi %add3A_307, %mul3A_2 : i32
    %add3A_309 = arith.constant 32 : i32
    %add3A_310 = arith.addi %add3A_308, %add3A_309 : i32
    %dma_start3A_311 = arith.constant 1 : i32
    %dma_start3A_312 = arith.constant 1 : i32
    %dma_start3A_313 = arith.constant 0 : i32
    %dma_start3A_314 = arith.constant 0 : i32
    %dma_start3A_315 = tpu.memref_slice %arg4[%dma_start3A_311, %dma_start3A_313, %dma_start3A_314] : memref<2x32x1024xf32, #tpu.memory_space<vmem>> -> memref<1x32x1024xf32, #tpu.memory_space<vmem>>
    %dma_start3A_316 = tpu.memref_squeeze %dma_start3A_315 : memref<1x32x1024xf32, #tpu.memory_space<vmem>> -> memref<32x1024xf32, #tpu.memory_space<vmem>>
    %dma_start3A_317 = arith.constant 0 : i32
    %dma_start3A_318 = tpu.memref_slice %arg3[%add3A_310, %dma_start3A_317] : memref<32768x1024xf32, #tpu.memory_space<hbm>> -> memref<32x1024xf32, #tpu.memory_space<hbm>>
    %dma_start3A_319 = tpu.memref_slice %arg7[%dma_start3A_312] : memref<2x!tpu.dma_semaphore, #tpu.memory_space<semaphore_mem>> -> memref<1x!tpu.dma_semaphore, #tpu.memory_space<semaphore_mem>>
    %dma_start3A_320 = tpu.memref_squeeze %dma_start3A_319 : memref<1x!tpu.dma_semaphore, #tpu.memory_space<semaphore_mem>> -> memref<!tpu.dma_semaphore, #tpu.memory_space<semaphore_mem>>
    %dma_start3A_321 = arith.constant 0 : i32
    %dma_start3A_322 = tpu.memref_slice %arg3[%add3A_310, %dma_start3A_321] : memref<32768x1024xf32, #tpu.memory_space<hbm>> -> memref<32x1024xf32, #tpu.memory_space<hbm>>
    %dma_start3A_323 = arith.constant 0 : i32
    %dma_start3A_324 = arith.constant 0 : i32
    %dma_start3A_325 = tpu.memref_slice %arg4[%dma_start3A_311, %dma_start3A_323, %dma_start3A_324] : memref<2x32x1024xf32, #tpu.memory_space<vmem>> -> memref<1x32x1024xf32, #tpu.memory_space<vmem>>
    %dma_start3A_326 = tpu.memref_squeeze %dma_start3A_325 : memref<1x32x1024xf32, #tpu.memory_space<vmem>> -> memref<32x1024xf32, #tpu.memory_space<vmem>>
    tpu.enqueue_dma source(%dma_start3A_326 : memref<32x1024xf32, #tpu.memory_space<vmem>>) target(%dma_start3A_322 : memref<32x1024xf32, #tpu.memory_space<hbm>>) target_semaphore(%dma_start3A_320 : memref<!tpu.dma_semaphore, #tpu.memory_space<semaphore_mem>>)
    %add3A_327 = arith.constant 0 : i32
    %add3A_328 = arith.addi %add3A_327, %mul3A_2 : i32
    %add3A_329 = arith.constant 0 : i32
    %add3A_330 = arith.addi %add3A_328, %add3A_329 : i32
    %dma_wait3A_331 = arith.constant 0 : i32
    %dma_wait3A_332 = arith.constant 0 : i32
    %dma_wait3A_333 = arith.constant 0 : i32
    %dma_wait3A_334 = arith.constant 0 : i32
    %dma_wait3A_335 = tpu.memref_slice %arg4[%dma_wait3A_331, %dma_wait3A_333, %dma_wait3A_334] : memref<2x32x1024xf32, #tpu.memory_space<vmem>> -> memref<1x32x1024xf32, #tpu.memory_space<vmem>>
    %dma_wait3A_336 = tpu.memref_squeeze %dma_wait3A_335 : memref<1x32x1024xf32, #tpu.memory_space<vmem>> -> memref<32x1024xf32, #tpu.memory_space<vmem>>
    %dma_wait3A_337 = arith.constant 0 : i32
    %dma_wait3A_338 = tpu.memref_slice %arg3[%add3A_330, %dma_wait3A_337] : memref<32768x1024xf32, #tpu.memory_space<hbm>> -> memref<32x1024xf32, #tpu.memory_space<hbm>>
    %dma_wait3A_339 = tpu.memref_slice %arg7[%dma_wait3A_332] : memref<2x!tpu.dma_semaphore, #tpu.memory_space<semaphore_mem>> -> memref<1x!tpu.dma_semaphore, #tpu.memory_space<semaphore_mem>>
    %dma_wait3A_340 = tpu.memref_squeeze %dma_wait3A_339 : memref<1x!tpu.dma_semaphore, #tpu.memory_space<semaphore_mem>> -> memref<!tpu.dma_semaphore, #tpu.memory_space<semaphore_mem>>
    %dma_wait3A_341 = arith.constant 0 : i32
    %dma_wait3A_342 = tpu.memref_slice %arg3[%add3A_330, %dma_wait3A_341] : memref<32768x1024xf32, #tpu.memory_space<hbm>> -> memref<32x1024xf32, #tpu.memory_space<hbm>>
    %dma_wait3A_343 = arith.constant 0 : i32
    %dma_wait3A_344 = arith.constant 0 : i32
    %dma_wait3A_345 = tpu.memref_slice %arg4[%dma_wait3A_331, %dma_wait3A_343, %dma_wait3A_344] : memref<2x32x1024xf32, #tpu.memory_space<vmem>> -> memref<1x32x1024xf32, #tpu.memory_space<vmem>>
    %dma_wait3A_346 = tpu.memref_squeeze %dma_wait3A_345 : memref<1x32x1024xf32, #tpu.memory_space<vmem>> -> memref<32x1024xf32, #tpu.memory_space<vmem>>
    tpu.wait_dma2 semaphore(%dma_wait3A_340 : memref<!tpu.dma_semaphore, #tpu.memory_space<semaphore_mem>>) src(%dma_wait3A_346 : memref<32x1024xf32, #tpu.memory_space<vmem>>) dst(%dma_wait3A_342 : memref<32x1024xf32, #tpu.memory_space<hbm>>)
    %add3A_347 = arith.constant 8192 : i32
    %add3A_348 = arith.addi %add3A_347, %mul3A_2 : i32
    %add3A_349 = arith.constant 0 : i32
    %add3A_350 = arith.addi %add3A_348, %add3A_349 : i32
    %dma_wait3A_351 = arith.constant 0 : i32
    %dma_wait3A_352 = arith.constant 0 : i32
    %dma_wait3A_353 = arith.constant 0 : i32
    %dma_wait3A_354 = arith.constant 0 : i32
    %dma_wait3A_355 = tpu.memref_slice %arg4[%dma_wait3A_351, %dma_wait3A_353, %dma_wait3A_354] : memref<2x32x1024xf32, #tpu.memory_space<vmem>> -> memref<1x32x1024xf32, #tpu.memory_space<vmem>>
    %dma_wait3A_356 = tpu.memref_squeeze %dma_wait3A_355 : memref<1x32x1024xf32, #tpu.memory_space<vmem>> -> memref<32x1024xf32, #tpu.memory_space<vmem>>
    %dma_wait3A_357 = arith.constant 0 : i32
    %dma_wait3A_358 = tpu.memref_slice %arg3[%add3A_350, %dma_wait3A_357] : memref<32768x1024xf32, #tpu.memory_space<hbm>> -> memref<32x1024xf32, #tpu.memory_space<hbm>>
    %dma_wait3A_359 = tpu.memref_slice %arg7[%dma_wait3A_352] : memref<2x!tpu.dma_semaphore, #tpu.memory_space<semaphore_mem>> -> memref<1x!tpu.dma_semaphore, #tpu.memory_space<semaphore_mem>>
    %dma_wait3A_360 = tpu.memref_squeeze %dma_wait3A_359 : memref<1x!tpu.dma_semaphore, #tpu.memory_space<semaphore_mem>> -> memref<!tpu.dma_semaphore, #tpu.memory_space<semaphore_mem>>
    %dma_wait3A_361 = arith.constant 0 : i32
    %dma_wait3A_362 = tpu.memref_slice %arg3[%add3A_350, %dma_wait3A_361] : memref<32768x1024xf32, #tpu.memory_space<hbm>> -> memref<32x1024xf32, #tpu.memory_space<hbm>>
    %dma_wait3A_363 = arith.constant 0 : i32
    %dma_wait3A_364 = arith.constant 0 : i32
    %dma_wait3A_365 = tpu.memref_slice %arg4[%dma_wait3A_351, %dma_wait3A_363, %dma_wait3A_364] : memref<2x32x1024xf32, #tpu.memory_space<vmem>> -> memref<1x32x1024xf32, #tpu.memory_space<vmem>>
    %dma_wait3A_366 = tpu.memref_squeeze %dma_wait3A_365 : memref<1x32x1024xf32, #tpu.memory_space<vmem>> -> memref<32x1024xf32, #tpu.memory_space<vmem>>
    tpu.wait_dma2 semaphore(%dma_wait3A_360 : memref<!tpu.dma_semaphore, #tpu.memory_space<semaphore_mem>>) src(%dma_wait3A_366 : memref<32x1024xf32, #tpu.memory_space<vmem>>) dst(%dma_wait3A_362 : memref<32x1024xf32, #tpu.memory_space<hbm>>)
    %add3A_367 = arith.constant 16384 : i32
    %add3A_368 = arith.addi %add3A_367, %mul3A_2 : i32
    %add3A_369 = arith.constant 0 : i32
    %add3A_370 = arith.addi %add3A_368, %add3A_369 : i32
    %dma_wait3A_371 = arith.constant 0 : i32
    %dma_wait3A_372 = arith.constant 0 : i32
    %dma_wait3A_373 = arith.constant 0 : i32
    %dma_wait3A_374 = arith.constant 0 : i32
    %dma_wait3A_375 = tpu.memref_slice %arg4[%dma_wait3A_371, %dma_wait3A_373, %dma_wait3A_374] : memref<2x32x1024xf32, #tpu.memory_space<vmem>> -> memref<1x32x1024xf32, #tpu.memory_space<vmem>>
    %dma_wait3A_376 = tpu.memref_squeeze %dma_wait3A_375 : memref<1x32x1024xf32, #tpu.memory_space<vmem>> -> memref<32x1024xf32, #tpu.memory_space<vmem>>
    %dma_wait3A_377 = arith.constant 0 : i32
    %dma_wait3A_378 = tpu.memref_slice %arg3[%add3A_370, %dma_wait3A_377] : memref<32768x1024xf32, #tpu.memory_space<hbm>> -> memref<32x1024xf32, #tpu.memory_space<hbm>>
    %dma_wait3A_379 = tpu.memref_slice %arg7[%dma_wait3A_372] : memref<2x!tpu.dma_semaphore, #tpu.memory_space<semaphore_mem>> -> memref<1x!tpu.dma_semaphore, #tpu.memory_space<semaphore_mem>>
    %dma_wait3A_380 = tpu.memref_squeeze %dma_wait3A_379 : memref<1x!tpu.dma_semaphore, #tpu.memory_space<semaphore_mem>> -> memref<!tpu.dma_semaphore, #tpu.memory_space<semaphore_mem>>
    %dma_wait3A_381 = arith.constant 0 : i32
    %dma_wait3A_382 = tpu.memref_slice %arg3[%add3A_370, %dma_wait3A_381] : memref<32768x1024xf32, #tpu.memory_space<hbm>> -> memref<32x1024xf32, #tpu.memory_space<hbm>>
    %dma_wait3A_383 = arith.constant 0 : i32
    %dma_wait3A_384 = arith.constant 0 : i32
    %dma_wait3A_385 = tpu.memref_slice %arg4[%dma_wait3A_371, %dma_wait3A_383, %dma_wait3A_384] : memref<2x32x1024xf32, #tpu.memory_space<vmem>> -> memref<1x32x1024xf32, #tpu.memory_space<vmem>>
    %dma_wait3A_386 = tpu.memref_squeeze %dma_wait3A_385 : memref<1x32x1024xf32, #tpu.memory_space<vmem>> -> memref<32x1024xf32, #tpu.memory_space<vmem>>
    tpu.wait_dma2 semaphore(%dma_wait3A_380 : memref<!tpu.dma_semaphore, #tpu.memory_space<semaphore_mem>>) src(%dma_wait3A_386 : memref<32x1024xf32, #tpu.memory_space<vmem>>) dst(%dma_wait3A_382 : memref<32x1024xf32, #tpu.memory_space<hbm>>)
    %add3A_387 = arith.constant 24576 : i32
    %add3A_388 = arith.addi %add3A_387, %mul3A_2 : i32
    %add3A_389 = arith.constant 0 : i32
    %add3A_390 = arith.addi %add3A_388, %add3A_389 : i32
    %dma_wait3A_391 = arith.constant 0 : i32
    %dma_wait3A_392 = arith.constant 0 : i32
    %dma_wait3A_393 = arith.constant 0 : i32
    %dma_wait3A_394 = arith.constant 0 : i32
    %dma_wait3A_395 = tpu.memref_slice %arg4[%dma_wait3A_391, %dma_wait3A_393, %dma_wait3A_394] : memref<2x32x1024xf32, #tpu.memory_space<vmem>> -> memref<1x32x1024xf32, #tpu.memory_space<vmem>>
    %dma_wait3A_396 = tpu.memref_squeeze %dma_wait3A_395 : memref<1x32x1024xf32, #tpu.memory_space<vmem>> -> memref<32x1024xf32, #tpu.memory_space<vmem>>
    %dma_wait3A_397 = arith.constant 0 : i32
    %dma_wait3A_398 = tpu.memref_slice %arg3[%add3A_390, %dma_wait3A_397] : memref<32768x1024xf32, #tpu.memory_space<hbm>> -> memref<32x1024xf32, #tpu.memory_space<hbm>>
    %dma_wait3A_399 = tpu.memref_slice %arg7[%dma_wait3A_392] : memref<2x!tpu.dma_semaphore, #tpu.memory_space<semaphore_mem>> -> memref<1x!tpu.dma_semaphore, #tpu.memory_space<semaphore_mem>>
    %dma_wait3A_400 = tpu.memref_squeeze %dma_wait3A_399 : memref<1x!tpu.dma_semaphore, #tpu.memory_space<semaphore_mem>> -> memref<!tpu.dma_semaphore, #tpu.memory_space<semaphore_mem>>
    %dma_wait3A_401 = arith.constant 0 : i32
    %dma_wait3A_402 = tpu.memref_slice %arg3[%add3A_390, %dma_wait3A_401] : memref<32768x1024xf32, #tpu.memory_space<hbm>> -> memref<32x1024xf32, #tpu.memory_space<hbm>>
    %dma_wait3A_403 = arith.constant 0 : i32
    %dma_wait3A_404 = arith.constant 0 : i32
    %dma_wait3A_405 = tpu.memref_slice %arg4[%dma_wait3A_391, %dma_wait3A_403, %dma_wait3A_404] : memref<2x32x1024xf32, #tpu.memory_space<vmem>> -> memref<1x32x1024xf32, #tpu.memory_space<vmem>>
    %dma_wait3A_406 = tpu.memref_squeeze %dma_wait3A_405 : memref<1x32x1024xf32, #tpu.memory_space<vmem>> -> memref<32x1024xf32, #tpu.memory_space<vmem>>
    tpu.wait_dma2 semaphore(%dma_wait3A_400 : memref<!tpu.dma_semaphore, #tpu.memory_space<semaphore_mem>>) src(%dma_wait3A_406 : memref<32x1024xf32, #tpu.memory_space<vmem>>) dst(%dma_wait3A_402 : memref<32x1024xf32, #tpu.memory_space<hbm>>)
    %add3A_407 = arith.constant 64 : i32
    %add3A_408 = arith.addi %mul3A_2, %add3A_407 : i32
    %dma_start3A_409 = arith.constant 0 : i32
    %dma_start3A_410 = arith.constant 0 : i32
    %dma_start3A_411 = arith.constant 0 : i32
    %dma_start3A_412 = arith.constant 0 : i32
    %dma_start3A_413 = tpu.memref_slice %arg4[%dma_start3A_409, %dma_start3A_411, %dma_start3A_412] : memref<2x32x1024xf32, #tpu.memory_space<vmem>> -> memref<1x32x1024xf32, #tpu.memory_space<vmem>>
    %dma_start3A_414 = tpu.memref_squeeze %dma_start3A_413 : memref<1x32x1024xf32, #tpu.memory_space<vmem>> -> memref<32x1024xf32, #tpu.memory_space<vmem>>
    %dma_start3A_415 = arith.constant 0 : i32
    %dma_start3A_416 = tpu.memref_slice %arg2[%add3A_408, %dma_start3A_415] : memref<8192x1024xf32, #tpu.memory_space<hbm>> -> memref<32x1024xf32, #tpu.memory_space<hbm>>
    %dma_start3A_417 = tpu.memref_slice %arg6[%dma_start3A_410] : memref<2x!tpu.dma_semaphore, #tpu.memory_space<semaphore_mem>> -> memref<1x!tpu.dma_semaphore, #tpu.memory_space<semaphore_mem>>
    %dma_start3A_418 = tpu.memref_squeeze %dma_start3A_417 : memref<1x!tpu.dma_semaphore, #tpu.memory_space<semaphore_mem>> -> memref<!tpu.dma_semaphore, #tpu.memory_space<semaphore_mem>>
    %dma_start3A_419 = arith.constant 0 : i32
    %dma_start3A_420 = arith.constant 0 : i32
    %dma_start3A_421 = tpu.memref_slice %arg4[%dma_start3A_409, %dma_start3A_419, %dma_start3A_420] : memref<2x32x1024xf32, #tpu.memory_space<vmem>> -> memref<1x32x1024xf32, #tpu.memory_space<vmem>>
    %dma_start3A_422 = tpu.memref_squeeze %dma_start3A_421 : memref<1x32x1024xf32, #tpu.memory_space<vmem>> -> memref<32x1024xf32, #tpu.memory_space<vmem>>
    %dma_start3A_423 = arith.constant 0 : i32
    %dma_start3A_424 = tpu.memref_slice %arg2[%add3A_408, %dma_start3A_423] : memref<8192x1024xf32, #tpu.memory_space<hbm>> -> memref<32x1024xf32, #tpu.memory_space<hbm>>
    tpu.enqueue_dma source(%dma_start3A_424 : memref<32x1024xf32, #tpu.memory_space<hbm>>) target(%dma_start3A_422 : memref<32x1024xf32, #tpu.memory_space<vmem>>) target_semaphore(%dma_start3A_418 : memref<!tpu.dma_semaphore, #tpu.memory_space<semaphore_mem>>)
    %add3A_425 = arith.constant 32 : i32
    %add3A_426 = arith.addi %add3A_4, %add3A_425 : i32
    %dma_wait3A_427 = arith.constant 1 : i32
    %dma_wait3A_428 = arith.constant 1 : i32
    %dma_wait3A_429 = tpu.memref_slice %arg8[%dma_wait3A_428] : memref<2x!tpu.dma_semaphore, #tpu.memory_space<semaphore_mem>> -> memref<1x!tpu.dma_semaphore, #tpu.memory_space<semaphore_mem>>
    %dma_wait3A_430 = tpu.memref_squeeze %dma_wait3A_429 : memref<1x!tpu.dma_semaphore, #tpu.memory_space<semaphore_mem>> -> memref<!tpu.dma_semaphore, #tpu.memory_space<semaphore_mem>>
    %dma_wait3A_431 = arith.constant 0 : i32
    %dma_wait3A_432 = arith.constant 0 : i32
    %dma_wait3A_433 = tpu.memref_slice %arg5[%arg1, %dma_wait3A_427, %dma_wait3A_431, %dma_wait3A_432] : memref<16x2x32x1024xf32, #tpu.memory_space<vmem_shared>> -> memref<1x1x32x1024xf32, #tpu.memory_space<vmem_shared>>
    %dma_wait3A_434 = tpu.memref_squeeze %dma_wait3A_433 : memref<1x1x32x1024xf32, #tpu.memory_space<vmem_shared>> -> memref<32x1024xf32, #tpu.memory_space<vmem_shared>>
    %dma_wait3A_435 = arith.constant 0 : i32
    %dma_wait3A_436 = tpu.memref_slice %arg2[%add3A_426, %dma_wait3A_435] : memref<8192x1024xf32, #tpu.memory_space<hbm>> -> memref<32x1024xf32, #tpu.memory_space<hbm>>
    tpu.wait_dma2 semaphore(%dma_wait3A_430 : memref<!tpu.dma_semaphore, #tpu.memory_space<semaphore_mem>>) src(%dma_wait3A_436 : memref<32x1024xf32, #tpu.memory_space<hbm>>) dst(%dma_wait3A_434 : memref<32x1024xf32, #tpu.memory_space<vmem_shared>>)
    %add3A_437 = arith.constant 0 : i32
    %add3A_438 = arith.addi %add3A_437, %add3A_4 : i32
    %add3A_439 = arith.constant 32 : i32
    %add3A_440 = arith.addi %add3A_438, %add3A_439 : i32
    %dma_start3A_441 = arith.constant 1 : i32
    %dma_start3A_442 = arith.constant 1 : i32
    %dma_start3A_443 = tpu.memref_slice %arg9[%dma_start3A_442] : memref<2x!tpu.dma_semaphore, #tpu.memory_space<semaphore_mem>> -> memref<1x!tpu.dma_semaphore, #tpu.memory_space<semaphore_mem>>
    %dma_start3A_444 = tpu.memref_squeeze %dma_start3A_443 : memref<1x!tpu.dma_semaphore, #tpu.memory_space<semaphore_mem>> -> memref<!tpu.dma_semaphore, #tpu.memory_space<semaphore_mem>>
    %dma_start3A_445 = arith.constant 0 : i32
    %dma_start3A_446 = tpu.memref_slice %arg3[%add3A_440, %dma_start3A_445] : memref<32768x1024xf32, #tpu.memory_space<hbm>> -> memref<32x1024xf32, #tpu.memory_space<hbm>>
    %dma_start3A_447 = arith.constant 0 : i32
    %dma_start3A_448 = arith.constant 0 : i32
    %dma_start3A_449 = tpu.memref_slice %arg5[%arg1, %dma_start3A_441, %dma_start3A_447, %dma_start3A_448] : memref<16x2x32x1024xf32, #tpu.memory_space<vmem_shared>> -> memref<1x1x32x1024xf32, #tpu.memory_space<vmem_shared>>
    %dma_start3A_450 = tpu.memref_squeeze %dma_start3A_449 : memref<1x1x32x1024xf32, #tpu.memory_space<vmem_shared>> -> memref<32x1024xf32, #tpu.memory_space<vmem_shared>>
    tpu.enqueue_dma source(%dma_start3A_450 : memref<32x1024xf32, #tpu.memory_space<vmem_shared>>) target(%dma_start3A_446 : memref<32x1024xf32, #tpu.memory_space<hbm>>) target_semaphore(%dma_start3A_444 : memref<!tpu.dma_semaphore, #tpu.memory_space<semaphore_mem>>)
    %add3A_451 = arith.constant 8192 : i32
    %add3A_452 = arith.addi %add3A_451, %add3A_4 : i32
    %add3A_453 = arith.constant 32 : i32
    %add3A_454 = arith.addi %add3A_452, %add3A_453 : i32
    %dma_start3A_455 = arith.constant 1 : i32
    %dma_start3A_456 = arith.constant 1 : i32
    %dma_start3A_457 = tpu.memref_slice %arg9[%dma_start3A_456] : memref<2x!tpu.dma_semaphore, #tpu.memory_space<semaphore_mem>> -> memref<1x!tpu.dma_semaphore, #tpu.memory_space<semaphore_mem>>
    %dma_start3A_458 = tpu.memref_squeeze %dma_start3A_457 : memref<1x!tpu.dma_semaphore, #tpu.memory_space<semaphore_mem>> -> memref<!tpu.dma_semaphore, #tpu.memory_space<semaphore_mem>>
    %dma_start3A_459 = arith.constant 0 : i32
    %dma_start3A_460 = tpu.memref_slice %arg3[%add3A_454, %dma_start3A_459] : memref<32768x1024xf32, #tpu.memory_space<hbm>> -> memref<32x1024xf32, #tpu.memory_space<hbm>>
    %dma_start3A_461 = arith.constant 0 : i32
    %dma_start3A_462 = arith.constant 0 : i32
    %dma_start3A_463 = tpu.memref_slice %arg5[%arg1, %dma_start3A_455, %dma_start3A_461, %dma_start3A_462] : memref<16x2x32x1024xf32, #tpu.memory_space<vmem_shared>> -> memref<1x1x32x1024xf32, #tpu.memory_space<vmem_shared>>
    %dma_start3A_464 = tpu.memref_squeeze %dma_start3A_463 : memref<1x1x32x1024xf32, #tpu.memory_space<vmem_shared>> -> memref<32x1024xf32, #tpu.memory_space<vmem_shared>>
    tpu.enqueue_dma source(%dma_start3A_464 : memref<32x1024xf32, #tpu.memory_space<vmem_shared>>) target(%dma_start3A_460 : memref<32x1024xf32, #tpu.memory_space<hbm>>) target_semaphore(%dma_start3A_458 : memref<!tpu.dma_semaphore, #tpu.memory_space<semaphore_mem>>)
    %add3A_465 = arith.constant 16384 : i32
    %add3A_466 = arith.addi %add3A_465, %add3A_4 : i32
    %add3A_467 = arith.constant 32 : i32
    %add3A_468 = arith.addi %add3A_466, %add3A_467 : i32
    %dma_start3A_469 = arith.constant 1 : i32
    %dma_start3A_470 = arith.constant 1 : i32
    %dma_start3A_471 = tpu.memref_slice %arg9[%dma_start3A_470] : memref<2x!tpu.dma_semaphore, #tpu.memory_space<semaphore_mem>> -> memref<1x!tpu.dma_semaphore, #tpu.memory_space<semaphore_mem>>
    %dma_start3A_472 = tpu.memref_squeeze %dma_start3A_471 : memref<1x!tpu.dma_semaphore, #tpu.memory_space<semaphore_mem>> -> memref<!tpu.dma_semaphore, #tpu.memory_space<semaphore_mem>>
    %dma_start3A_473 = arith.constant 0 : i32
    %dma_start3A_474 = tpu.memref_slice %arg3[%add3A_468, %dma_start3A_473] : memref<32768x1024xf32, #tpu.memory_space<hbm>> -> memref<32x1024xf32, #tpu.memory_space<hbm>>
    %dma_start3A_475 = arith.constant 0 : i32
    %dma_start3A_476 = arith.constant 0 : i32
    %dma_start3A_477 = tpu.memref_slice %arg5[%arg1, %dma_start3A_469, %dma_start3A_475, %dma_start3A_476] : memref<16x2x32x1024xf32, #tpu.memory_space<vmem_shared>> -> memref<1x1x32x1024xf32, #tpu.memory_space<vmem_shared>>
    %dma_start3A_478 = tpu.memref_squeeze %dma_start3A_477 : memref<1x1x32x1024xf32, #tpu.memory_space<vmem_shared>> -> memref<32x1024xf32, #tpu.memory_space<vmem_shared>>
    tpu.enqueue_dma source(%dma_start3A_478 : memref<32x1024xf32, #tpu.memory_space<vmem_shared>>) target(%dma_start3A_474 : memref<32x1024xf32, #tpu.memory_space<hbm>>) target_semaphore(%dma_start3A_472 : memref<!tpu.dma_semaphore, #tpu.memory_space<semaphore_mem>>)
    %add3A_479 = arith.constant 24576 : i32
    %add3A_480 = arith.addi %add3A_479, %add3A_4 : i32
    %add3A_481 = arith.constant 32 : i32
    %add3A_482 = arith.addi %add3A_480, %add3A_481 : i32
    %dma_start3A_483 = arith.constant 1 : i32
    %dma_start3A_484 = arith.constant 1 : i32
    %dma_start3A_485 = tpu.memref_slice %arg9[%dma_start3A_484] : memref<2x!tpu.dma_semaphore, #tpu.memory_space<semaphore_mem>> -> memref<1x!tpu.dma_semaphore, #tpu.memory_space<semaphore_mem>>
    %dma_start3A_486 = tpu.memref_squeeze %dma_start3A_485 : memref<1x!tpu.dma_semaphore, #tpu.memory_space<semaphore_mem>> -> memref<!tpu.dma_semaphore, #tpu.memory_space<semaphore_mem>>
    %dma_start3A_487 = arith.constant 0 : i32
    %dma_start3A_488 = tpu.memref_slice %arg3[%add3A_482, %dma_start3A_487] : memref<32768x1024xf32, #tpu.memory_space<hbm>> -> memref<32x1024xf32, #tpu.memory_space<hbm>>
    %dma_start3A_489 = arith.constant 0 : i32
    %dma_start3A_490 = arith.constant 0 : i32
    %dma_start3A_491 = tpu.memref_slice %arg5[%arg1, %dma_start3A_483, %dma_start3A_489, %dma_start3A_490] : memref<16x2x32x1024xf32, #tpu.memory_space<vmem_shared>> -> memref<1x1x32x1024xf32, #tpu.memory_space<vmem_shared>>
    %dma_start3A_492 = tpu.memref_squeeze %dma_start3A_491 : memref<1x1x32x1024xf32, #tpu.memory_space<vmem_shared>> -> memref<32x1024xf32, #tpu.memory_space<vmem_shared>>
    tpu.enqueue_dma source(%dma_start3A_492 : memref<32x1024xf32, #tpu.memory_space<vmem_shared>>) target(%dma_start3A_488 : memref<32x1024xf32, #tpu.memory_space<hbm>>) target_semaphore(%dma_start3A_486 : memref<!tpu.dma_semaphore, #tpu.memory_space<semaphore_mem>>)
    %add3A_493 = arith.constant 0 : i32
    %add3A_494 = arith.addi %add3A_493, %add3A_4 : i32
    %add3A_495 = arith.constant 0 : i32
    %add3A_496 = arith.addi %add3A_494, %add3A_495 : i32
    %dma_wait3A_497 = arith.constant 0 : i32
    %dma_wait3A_498 = arith.constant 0 : i32
    %dma_wait3A_499 = tpu.memref_slice %arg9[%dma_wait3A_498] : memref<2x!tpu.dma_semaphore, #tpu.memory_space<semaphore_mem>> -> memref<1x!tpu.dma_semaphore, #tpu.memory_space<semaphore_mem>>
    %dma_wait3A_500 = tpu.memref_squeeze %dma_wait3A_499 : memref<1x!tpu.dma_semaphore, #tpu.memory_space<semaphore_mem>> -> memref<!tpu.dma_semaphore, #tpu.memory_space<semaphore_mem>>
    %dma_wait3A_501 = arith.constant 0 : i32
    %dma_wait3A_502 = tpu.memref_slice %arg3[%add3A_496, %dma_wait3A_501] : memref<32768x1024xf32, #tpu.memory_space<hbm>> -> memref<32x1024xf32, #tpu.memory_space<hbm>>
    %dma_wait3A_503 = arith.constant 0 : i32
    %dma_wait3A_504 = arith.constant 0 : i32
    %dma_wait3A_505 = tpu.memref_slice %arg5[%arg1, %dma_wait3A_497, %dma_wait3A_503, %dma_wait3A_504] : memref<16x2x32x1024xf32, #tpu.memory_space<vmem_shared>> -> memref<1x1x32x1024xf32, #tpu.memory_space<vmem_shared>>
    %dma_wait3A_506 = tpu.memref_squeeze %dma_wait3A_505 : memref<1x1x32x1024xf32, #tpu.memory_space<vmem_shared>> -> memref<32x1024xf32, #tpu.memory_space<vmem_shared>>
    tpu.wait_dma2 semaphore(%dma_wait3A_500 : memref<!tpu.dma_semaphore, #tpu.memory_space<semaphore_mem>>) src(%dma_wait3A_506 : memref<32x1024xf32, #tpu.memory_space<vmem_shared>>) dst(%dma_wait3A_502 : memref<32x1024xf32, #tpu.memory_space<hbm>>)
    %add3A_507 = arith.constant 8192 : i32
    %add3A_508 = arith.addi %add3A_507, %add3A_4 : i32
    %add3A_509 = arith.constant 0 : i32
    %add3A_510 = arith.addi %add3A_508, %add3A_509 : i32
    %dma_wait3A_511 = arith.constant 0 : i32
    %dma_wait3A_512 = arith.constant 0 : i32
    %dma_wait3A_513 = tpu.memref_slice %arg9[%dma_wait3A_512] : memref<2x!tpu.dma_semaphore, #tpu.memory_space<semaphore_mem>> -> memref<1x!tpu.dma_semaphore, #tpu.memory_space<semaphore_mem>>
    %dma_wait3A_514 = tpu.memref_squeeze %dma_wait3A_513 : memref<1x!tpu.dma_semaphore, #tpu.memory_space<semaphore_mem>> -> memref<!tpu.dma_semaphore, #tpu.memory_space<semaphore_mem>>
    %dma_wait3A_515 = arith.constant 0 : i32
    %dma_wait3A_516 = tpu.memref_slice %arg3[%add3A_510, %dma_wait3A_515] : memref<32768x1024xf32, #tpu.memory_space<hbm>> -> memref<32x1024xf32, #tpu.memory_space<hbm>>
    %dma_wait3A_517 = arith.constant 0 : i32
    %dma_wait3A_518 = arith.constant 0 : i32
    %dma_wait3A_519 = tpu.memref_slice %arg5[%arg1, %dma_wait3A_511, %dma_wait3A_517, %dma_wait3A_518] : memref<16x2x32x1024xf32, #tpu.memory_space<vmem_shared>> -> memref<1x1x32x1024xf32, #tpu.memory_space<vmem_shared>>
    %dma_wait3A_520 = tpu.memref_squeeze %dma_wait3A_519 : memref<1x1x32x1024xf32, #tpu.memory_space<vmem_shared>> -> memref<32x1024xf32, #tpu.memory_space<vmem_shared>>
    tpu.wait_dma2 semaphore(%dma_wait3A_514 : memref<!tpu.dma_semaphore, #tpu.memory_space<semaphore_mem>>) src(%dma_wait3A_520 : memref<32x1024xf32, #tpu.memory_space<vmem_shared>>) dst(%dma_wait3A_516 : memref<32x1024xf32, #tpu.memory_space<hbm>>)
    %add3A_521 = arith.constant 16384 : i32
    %add3A_522 = arith.addi %add3A_521, %add3A_4 : i32
    %add3A_523 = arith.constant 0 : i32
    %add3A_524 = arith.addi %add3A_522, %add3A_523 : i32
    %dma_wait3A_525 = arith.constant 0 : i32
    %dma_wait3A_526 = arith.constant 0 : i32
    %dma_wait3A_527 = tpu.memref_slice %arg9[%dma_wait3A_526] : memref<2x!tpu.dma_semaphore, #tpu.memory_space<semaphore_mem>> -> memref<1x!tpu.dma_semaphore, #tpu.memory_space<semaphore_mem>>
    %dma_wait3A_528 = tpu.memref_squeeze %dma_wait3A_527 : memref<1x!tpu.dma_semaphore, #tpu.memory_space<semaphore_mem>> -> memref<!tpu.dma_semaphore, #tpu.memory_space<semaphore_mem>>
    %dma_wait3A_529 = arith.constant 0 : i32
    %dma_wait3A_530 = tpu.memref_slice %arg3[%add3A_524, %dma_wait3A_529] : memref<32768x1024xf32, #tpu.memory_space<hbm>> -> memref<32x1024xf32, #tpu.memory_space<hbm>>
    %dma_wait3A_531 = arith.constant 0 : i32
    %dma_wait3A_532 = arith.constant 0 : i32
    %dma_wait3A_533 = tpu.memref_slice %arg5[%arg1, %dma_wait3A_525, %dma_wait3A_531, %dma_wait3A_532] : memref<16x2x32x1024xf32, #tpu.memory_space<vmem_shared>> -> memref<1x1x32x1024xf32, #tpu.memory_space<vmem_shared>>
    %dma_wait3A_534 = tpu.memref_squeeze %dma_wait3A_533 : memref<1x1x32x1024xf32, #tpu.memory_space<vmem_shared>> -> memref<32x1024xf32, #tpu.memory_space<vmem_shared>>
    tpu.wait_dma2 semaphore(%dma_wait3A_528 : memref<!tpu.dma_semaphore, #tpu.memory_space<semaphore_mem>>) src(%dma_wait3A_534 : memref<32x1024xf32, #tpu.memory_space<vmem_shared>>) dst(%dma_wait3A_530 : memref<32x1024xf32, #tpu.memory_space<hbm>>)
    %add3A_535 = arith.constant 24576 : i32
    %add3A_536 = arith.addi %add3A_535, %add3A_4 : i32
    %add3A_537 = arith.constant 0 : i32
    %add3A_538 = arith.addi %add3A_536, %add3A_537 : i32
    %dma_wait3A_539 = arith.constant 0 : i32
    %dma_wait3A_540 = arith.constant 0 : i32
    %dma_wait3A_541 = tpu.memref_slice %arg9[%dma_wait3A_540] : memref<2x!tpu.dma_semaphore, #tpu.memory_space<semaphore_mem>> -> memref<1x!tpu.dma_semaphore, #tpu.memory_space<semaphore_mem>>
    %dma_wait3A_542 = tpu.memref_squeeze %dma_wait3A_541 : memref<1x!tpu.dma_semaphore, #tpu.memory_space<semaphore_mem>> -> memref<!tpu.dma_semaphore, #tpu.memory_space<semaphore_mem>>
    %dma_wait3A_543 = arith.constant 0 : i32
    %dma_wait3A_544 = tpu.memref_slice %arg3[%add3A_538, %dma_wait3A_543] : memref<32768x1024xf32, #tpu.memory_space<hbm>> -> memref<32x1024xf32, #tpu.memory_space<hbm>>
    %dma_wait3A_545 = arith.constant 0 : i32
    %dma_wait3A_546 = arith.constant 0 : i32
    %dma_wait3A_547 = tpu.memref_slice %arg5[%arg1, %dma_wait3A_539, %dma_wait3A_545, %dma_wait3A_546] : memref<16x2x32x1024xf32, #tpu.memory_space<vmem_shared>> -> memref<1x1x32x1024xf32, #tpu.memory_space<vmem_shared>>
    %dma_wait3A_548 = tpu.memref_squeeze %dma_wait3A_547 : memref<1x1x32x1024xf32, #tpu.memory_space<vmem_shared>> -> memref<32x1024xf32, #tpu.memory_space<vmem_shared>>
    tpu.wait_dma2 semaphore(%dma_wait3A_542 : memref<!tpu.dma_semaphore, #tpu.memory_space<semaphore_mem>>) src(%dma_wait3A_548 : memref<32x1024xf32, #tpu.memory_space<vmem_shared>>) dst(%dma_wait3A_544 : memref<32x1024xf32, #tpu.memory_space<hbm>>)
    %add3A_549 = arith.constant 64 : i32
    %add3A_550 = arith.addi %add3A_4, %add3A_549 : i32
    %dma_start3A_551 = arith.constant 0 : i32
    %dma_start3A_552 = arith.constant 0 : i32
    %dma_start3A_553 = tpu.memref_slice %arg8[%dma_start3A_552] : memref<2x!tpu.dma_semaphore, #tpu.memory_space<semaphore_mem>> -> memref<1x!tpu.dma_semaphore, #tpu.memory_space<semaphore_mem>>
    %dma_start3A_554 = tpu.memref_squeeze %dma_start3A_553 : memref<1x!tpu.dma_semaphore, #tpu.memory_space<semaphore_mem>> -> memref<!tpu.dma_semaphore, #tpu.memory_space<semaphore_mem>>
    %dma_start3A_555 = arith.constant 0 : i32
    %dma_start3A_556 = arith.constant 0 : i32
    %dma_start3A_557 = tpu.memref_slice %arg5[%arg1, %dma_start3A_551, %dma_start3A_555, %dma_start3A_556] : memref<16x2x32x1024xf32, #tpu.memory_space<vmem_shared>> -> memref<1x1x32x1024xf32, #tpu.memory_space<vmem_shared>>
    %dma_start3A_558 = tpu.memref_squeeze %dma_start3A_557 : memref<1x1x32x1024xf32, #tpu.memory_space<vmem_shared>> -> memref<32x1024xf32, #tpu.memory_space<vmem_shared>>
    %dma_start3A_559 = arith.constant 0 : i32
    %dma_start3A_560 = tpu.memref_slice %arg2[%add3A_550, %dma_start3A_559] : memref<8192x1024xf32, #tpu.memory_space<hbm>> -> memref<32x1024xf32, #tpu.memory_space<hbm>>
    tpu.enqueue_dma source(%dma_start3A_560 : memref<32x1024xf32, #tpu.memory_space<hbm>>) target(%dma_start3A_558 : memref<32x1024xf32, #tpu.memory_space<vmem_shared>>) target_semaphore(%dma_start3A_554 : memref<!tpu.dma_semaphore, #tpu.memory_space<semaphore_mem>>)
    %add3A_561 = arith.constant 64 : i32
    %add3A_562 = arith.addi %mul3A_2, %add3A_561 : i32
    %dma_wait3A_563 = arith.constant 0 : i32
    %dma_wait3A_564 = arith.constant 0 : i32
    %dma_wait3A_565 = arith.constant 0 : i32
    %dma_wait3A_566 = arith.constant 0 : i32
    %dma_wait3A_567 = tpu.memref_slice %arg4[%dma_wait3A_563, %dma_wait3A_565, %dma_wait3A_566] : memref<2x32x1024xf32, #tpu.memory_space<vmem>> -> memref<1x32x1024xf32, #tpu.memory_space<vmem>>
    %dma_wait3A_568 = tpu.memref_squeeze %dma_wait3A_567 : memref<1x32x1024xf32, #tpu.memory_space<vmem>> -> memref<32x1024xf32, #tpu.memory_space<vmem>>
    %dma_wait3A_569 = arith.constant 0 : i32
    %dma_wait3A_570 = tpu.memref_slice %arg2[%add3A_562, %dma_wait3A_569] : memref<8192x1024xf32, #tpu.memory_space<hbm>> -> memref<32x1024xf32, #tpu.memory_space<hbm>>
    %dma_wait3A_571 = tpu.memref_slice %arg6[%dma_wait3A_564] : memref<2x!tpu.dma_semaphore, #tpu.memory_space<semaphore_mem>> -> memref<1x!tpu.dma_semaphore, #tpu.memory_space<semaphore_mem>>
    %dma_wait3A_572 = tpu.memref_squeeze %dma_wait3A_571 : memref<1x!tpu.dma_semaphore, #tpu.memory_space<semaphore_mem>> -> memref<!tpu.dma_semaphore, #tpu.memory_space<semaphore_mem>>
    %dma_wait3A_573 = arith.constant 0 : i32
    %dma_wait3A_574 = arith.constant 0 : i32
    %dma_wait3A_575 = tpu.memref_slice %arg4[%dma_wait3A_563, %dma_wait3A_573, %dma_wait3A_574] : memref<2x32x1024xf32, #tpu.memory_space<vmem>> -> memref<1x32x1024xf32, #tpu.memory_space<vmem>>
    %dma_wait3A_576 = tpu.memref_squeeze %dma_wait3A_575 : memref<1x32x1024xf32, #tpu.memory_space<vmem>> -> memref<32x1024xf32, #tpu.memory_space<vmem>>
    %dma_wait3A_577 = arith.constant 0 : i32
    %dma_wait3A_578 = tpu.memref_slice %arg2[%add3A_562, %dma_wait3A_577] : memref<8192x1024xf32, #tpu.memory_space<hbm>> -> memref<32x1024xf32, #tpu.memory_space<hbm>>
    tpu.wait_dma2 semaphore(%dma_wait3A_572 : memref<!tpu.dma_semaphore, #tpu.memory_space<semaphore_mem>>) src(%dma_wait3A_578 : memref<32x1024xf32, #tpu.memory_space<hbm>>) dst(%dma_wait3A_576 : memref<32x1024xf32, #tpu.memory_space<vmem>>)
    %add3A_579 = arith.constant 0 : i32
    %add3A_580 = arith.addi %add3A_579, %mul3A_2 : i32
    %add3A_581 = arith.constant 64 : i32
    %add3A_582 = arith.addi %add3A_580, %add3A_581 : i32
    %dma_start3A_583 = arith.constant 0 : i32
    %dma_start3A_584 = arith.constant 0 : i32
    %dma_start3A_585 = arith.constant 0 : i32
    %dma_start3A_586 = arith.constant 0 : i32
    %dma_start3A_587 = tpu.memref_slice %arg4[%dma_start3A_583, %dma_start3A_585, %dma_start3A_586] : memref<2x32x1024xf32, #tpu.memory_space<vmem>> -> memref<1x32x1024xf32, #tpu.memory_space<vmem>>
    %dma_start3A_588 = tpu.memref_squeeze %dma_start3A_587 : memref<1x32x1024xf32, #tpu.memory_space<vmem>> -> memref<32x1024xf32, #tpu.memory_space<vmem>>
    %dma_start3A_589 = arith.constant 0 : i32
    %dma_start3A_590 = tpu.memref_slice %arg3[%add3A_582, %dma_start3A_589] : memref<32768x1024xf32, #tpu.memory_space<hbm>> -> memref<32x1024xf32, #tpu.memory_space<hbm>>
    %dma_start3A_591 = tpu.memref_slice %arg7[%dma_start3A_584] : memref<2x!tpu.dma_semaphore, #tpu.memory_space<semaphore_mem>> -> memref<1x!tpu.dma_semaphore, #tpu.memory_space<semaphore_mem>>
    %dma_start3A_592 = tpu.memref_squeeze %dma_start3A_591 : memref<1x!tpu.dma_semaphore, #tpu.memory_space<semaphore_mem>> -> memref<!tpu.dma_semaphore, #tpu.memory_space<semaphore_mem>>
    %dma_start3A_593 = arith.constant 0 : i32
    %dma_start3A_594 = tpu.memref_slice %arg3[%add3A_582, %dma_start3A_593] : memref<32768x1024xf32, #tpu.memory_space<hbm>> -> memref<32x1024xf32, #tpu.memory_space<hbm>>
    %dma_start3A_595 = arith.constant 0 : i32
    %dma_start3A_596 = arith.constant 0 : i32
    %dma_start3A_597 = tpu.memref_slice %arg4[%dma_start3A_583, %dma_start3A_595, %dma_start3A_596] : memref<2x32x1024xf32, #tpu.memory_space<vmem>> -> memref<1x32x1024xf32, #tpu.memory_space<vmem>>
    %dma_start3A_598 = tpu.memref_squeeze %dma_start3A_597 : memref<1x32x1024xf32, #tpu.memory_space<vmem>> -> memref<32x1024xf32, #tpu.memory_space<vmem>>
    tpu.enqueue_dma source(%dma_start3A_598 : memref<32x1024xf32, #tpu.memory_space<vmem>>) target(%dma_start3A_594 : memref<32x1024xf32, #tpu.memory_space<hbm>>) target_semaphore(%dma_start3A_592 : memref<!tpu.dma_semaphore, #tpu.memory_space<semaphore_mem>>)
    %add3A_599 = arith.constant 8192 : i32
    %add3A_600 = arith.addi %add3A_599, %mul3A_2 : i32
    %add3A_601 = arith.constant 64 : i32
    %add3A_602 = arith.addi %add3A_600, %add3A_601 : i32
    %dma_start3A_603 = arith.constant 0 : i32
    %dma_start3A_604 = arith.constant 0 : i32
    %dma_start3A_605 = arith.constant 0 : i32
    %dma_start3A_606 = arith.constant 0 : i32
    %dma_start3A_607 = tpu.memref_slice %arg4[%dma_start3A_603, %dma_start3A_605, %dma_start3A_606] : memref<2x32x1024xf32, #tpu.memory_space<vmem>> -> memref<1x32x1024xf32, #tpu.memory_space<vmem>>
    %dma_start3A_608 = tpu.memref_squeeze %dma_start3A_607 : memref<1x32x1024xf32, #tpu.memory_space<vmem>> -> memref<32x1024xf32, #tpu.memory_space<vmem>>
    %dma_start3A_609 = arith.constant 0 : i32
    %dma_start3A_610 = tpu.memref_slice %arg3[%add3A_602, %dma_start3A_609] : memref<32768x1024xf32, #tpu.memory_space<hbm>> -> memref<32x1024xf32, #tpu.memory_space<hbm>>
    %dma_start3A_611 = tpu.memref_slice %arg7[%dma_start3A_604] : memref<2x!tpu.dma_semaphore, #tpu.memory_space<semaphore_mem>> -> memref<1x!tpu.dma_semaphore, #tpu.memory_space<semaphore_mem>>
    %dma_start3A_612 = tpu.memref_squeeze %dma_start3A_611 : memref<1x!tpu.dma_semaphore, #tpu.memory_space<semaphore_mem>> -> memref<!tpu.dma_semaphore, #tpu.memory_space<semaphore_mem>>
    %dma_start3A_613 = arith.constant 0 : i32
    %dma_start3A_614 = tpu.memref_slice %arg3[%add3A_602, %dma_start3A_613] : memref<32768x1024xf32, #tpu.memory_space<hbm>> -> memref<32x1024xf32, #tpu.memory_space<hbm>>
    %dma_start3A_615 = arith.constant 0 : i32
    %dma_start3A_616 = arith.constant 0 : i32
    %dma_start3A_617 = tpu.memref_slice %arg4[%dma_start3A_603, %dma_start3A_615, %dma_start3A_616] : memref<2x32x1024xf32, #tpu.memory_space<vmem>> -> memref<1x32x1024xf32, #tpu.memory_space<vmem>>
    %dma_start3A_618 = tpu.memref_squeeze %dma_start3A_617 : memref<1x32x1024xf32, #tpu.memory_space<vmem>> -> memref<32x1024xf32, #tpu.memory_space<vmem>>
    tpu.enqueue_dma source(%dma_start3A_618 : memref<32x1024xf32, #tpu.memory_space<vmem>>) target(%dma_start3A_614 : memref<32x1024xf32, #tpu.memory_space<hbm>>) target_semaphore(%dma_start3A_612 : memref<!tpu.dma_semaphore, #tpu.memory_space<semaphore_mem>>)
    %add3A_619 = arith.constant 16384 : i32
    %add3A_620 = arith.addi %add3A_619, %mul3A_2 : i32
    %add3A_621 = arith.constant 64 : i32
    %add3A_622 = arith.addi %add3A_620, %add3A_621 : i32
    %dma_start3A_623 = arith.constant 0 : i32
    %dma_start3A_624 = arith.constant 0 : i32
    %dma_start3A_625 = arith.constant 0 : i32
    %dma_start3A_626 = arith.constant 0 : i32
    %dma_start3A_627 = tpu.memref_slice %arg4[%dma_start3A_623, %dma_start3A_625, %dma_start3A_626] : memref<2x32x1024xf32, #tpu.memory_space<vmem>> -> memref<1x32x1024xf32, #tpu.memory_space<vmem>>
    %dma_start3A_628 = tpu.memref_squeeze %dma_start3A_627 : memref<1x32x1024xf32, #tpu.memory_space<vmem>> -> memref<32x1024xf32, #tpu.memory_space<vmem>>
    %dma_start3A_629 = arith.constant 0 : i32
    %dma_start3A_630 = tpu.memref_slice %arg3[%add3A_622, %dma_start3A_629] : memref<32768x1024xf32, #tpu.memory_space<hbm>> -> memref<32x1024xf32, #tpu.memory_space<hbm>>
    %dma_start3A_631 = tpu.memref_slice %arg7[%dma_start3A_624] : memref<2x!tpu.dma_semaphore, #tpu.memory_space<semaphore_mem>> -> memref<1x!tpu.dma_semaphore, #tpu.memory_space<semaphore_mem>>
    %dma_start3A_632 = tpu.memref_squeeze %dma_start3A_631 : memref<1x!tpu.dma_semaphore, #tpu.memory_space<semaphore_mem>> -> memref<!tpu.dma_semaphore, #tpu.memory_space<semaphore_mem>>
    %dma_start3A_633 = arith.constant 0 : i32
    %dma_start3A_634 = tpu.memref_slice %arg3[%add3A_622, %dma_start3A_633] : memref<32768x1024xf32, #tpu.memory_space<hbm>> -> memref<32x1024xf32, #tpu.memory_space<hbm>>
    %dma_start3A_635 = arith.constant 0 : i32
    %dma_start3A_636 = arith.constant 0 : i32
    %dma_start3A_637 = tpu.memref_slice %arg4[%dma_start3A_623, %dma_start3A_635, %dma_start3A_636] : memref<2x32x1024xf32, #tpu.memory_space<vmem>> -> memref<1x32x1024xf32, #tpu.memory_space<vmem>>
    %dma_start3A_638 = tpu.memref_squeeze %dma_start3A_637 : memref<1x32x1024xf32, #tpu.memory_space<vmem>> -> memref<32x1024xf32, #tpu.memory_space<vmem>>
    tpu.enqueue_dma source(%dma_start3A_638 : memref<32x1024xf32, #tpu.memory_space<vmem>>) target(%dma_start3A_634 : memref<32x1024xf32, #tpu.memory_space<hbm>>) target_semaphore(%dma_start3A_632 : memref<!tpu.dma_semaphore, #tpu.memory_space<semaphore_mem>>)
    %add3A_639 = arith.constant 24576 : i32
    %add3A_640 = arith.addi %add3A_639, %mul3A_2 : i32
    %add3A_641 = arith.constant 64 : i32
    %add3A_642 = arith.addi %add3A_640, %add3A_641 : i32
    %dma_start3A_643 = arith.constant 0 : i32
    %dma_start3A_644 = arith.constant 0 : i32
    %dma_start3A_645 = arith.constant 0 : i32
    %dma_start3A_646 = arith.constant 0 : i32
    %dma_start3A_647 = tpu.memref_slice %arg4[%dma_start3A_643, %dma_start3A_645, %dma_start3A_646] : memref<2x32x1024xf32, #tpu.memory_space<vmem>> -> memref<1x32x1024xf32, #tpu.memory_space<vmem>>
    %dma_start3A_648 = tpu.memref_squeeze %dma_start3A_647 : memref<1x32x1024xf32, #tpu.memory_space<vmem>> -> memref<32x1024xf32, #tpu.memory_space<vmem>>
    %dma_start3A_649 = arith.constant 0 : i32
    %dma_start3A_650 = tpu.memref_slice %arg3[%add3A_642, %dma_start3A_649] : memref<32768x1024xf32, #tpu.memory_space<hbm>> -> memref<32x1024xf32, #tpu.memory_space<hbm>>
    %dma_start3A_651 = tpu.memref_slice %arg7[%dma_start3A_644] : memref<2x!tpu.dma_semaphore, #tpu.memory_space<semaphore_mem>> -> memref<1x!tpu.dma_semaphore, #tpu.memory_space<semaphore_mem>>
    %dma_start3A_652 = tpu.memref_squeeze %dma_start3A_651 : memref<1x!tpu.dma_semaphore, #tpu.memory_space<semaphore_mem>> -> memref<!tpu.dma_semaphore, #tpu.memory_space<semaphore_mem>>
    %dma_start3A_653 = arith.constant 0 : i32
    %dma_start3A_654 = tpu.memref_slice %arg3[%add3A_642, %dma_start3A_653] : memref<32768x1024xf32, #tpu.memory_space<hbm>> -> memref<32x1024xf32, #tpu.memory_space<hbm>>
    %dma_start3A_655 = arith.constant 0 : i32
    %dma_start3A_656 = arith.constant 0 : i32
    %dma_start3A_657 = tpu.memref_slice %arg4[%dma_start3A_643, %dma_start3A_655, %dma_start3A_656] : memref<2x32x1024xf32, #tpu.memory_space<vmem>> -> memref<1x32x1024xf32, #tpu.memory_space<vmem>>
    %dma_start3A_658 = tpu.memref_squeeze %dma_start3A_657 : memref<1x32x1024xf32, #tpu.memory_space<vmem>> -> memref<32x1024xf32, #tpu.memory_space<vmem>>
    tpu.enqueue_dma source(%dma_start3A_658 : memref<32x1024xf32, #tpu.memory_space<vmem>>) target(%dma_start3A_654 : memref<32x1024xf32, #tpu.memory_space<hbm>>) target_semaphore(%dma_start3A_652 : memref<!tpu.dma_semaphore, #tpu.memory_space<semaphore_mem>>)
    %add3A_659 = arith.constant 0 : i32
    %add3A_660 = arith.addi %add3A_659, %mul3A_2 : i32
    %add3A_661 = arith.constant 32 : i32
    %add3A_662 = arith.addi %add3A_660, %add3A_661 : i32
    %dma_wait3A_663 = arith.constant 1 : i32
    %dma_wait3A_664 = arith.constant 1 : i32
    %dma_wait3A_665 = arith.constant 0 : i32
    %dma_wait3A_666 = arith.constant 0 : i32
    %dma_wait3A_667 = tpu.memref_slice %arg4[%dma_wait3A_663, %dma_wait3A_665, %dma_wait3A_666] : memref<2x32x1024xf32, #tpu.memory_space<vmem>> -> memref<1x32x1024xf32, #tpu.memory_space<vmem>>
    %dma_wait3A_668 = tpu.memref_squeeze %dma_wait3A_667 : memref<1x32x1024xf32, #tpu.memory_space<vmem>> -> memref<32x1024xf32, #tpu.memory_space<vmem>>
    %dma_wait3A_669 = arith.constant 0 : i32
    %dma_wait3A_670 = tpu.memref_slice %arg3[%add3A_662, %dma_wait3A_669] : memref<32768x1024xf32, #tpu.memory_space<hbm>> -> memref<32x1024xf32, #tpu.memory_space<hbm>>
    %dma_wait3A_671 = tpu.memref_slice %arg7[%dma_wait3A_664] : memref<2x!tpu.dma_semaphore, #tpu.memory_space<semaphore_mem>> -> memref<1x!tpu.dma_semaphore, #tpu.memory_space<semaphore_mem>>
    %dma_wait3A_672 = tpu.memref_squeeze %dma_wait3A_671 : memref<1x!tpu.dma_semaphore, #tpu.memory_space<semaphore_mem>> -> memref<!tpu.dma_semaphore, #tpu.memory_space<semaphore_mem>>
    %dma_wait3A_673 = arith.constant 0 : i32
    %dma_wait3A_674 = tpu.memref_slice %arg3[%add3A_662, %dma_wait3A_673] : memref<32768x1024xf32, #tpu.memory_space<hbm>> -> memref<32x1024xf32, #tpu.memory_space<hbm>>
    %dma_wait3A_675 = arith.constant 0 : i32
    %dma_wait3A_676 = arith.constant 0 : i32
    %dma_wait3A_677 = tpu.memref_slice %arg4[%dma_wait3A_663, %dma_wait3A_675, %dma_wait3A_676] : memref<2x32x1024xf32, #tpu.memory_space<vmem>> -> memref<1x32x1024xf32, #tpu.memory_space<vmem>>
    %dma_wait3A_678 = tpu.memref_squeeze %dma_wait3A_677 : memref<1x32x1024xf32, #tpu.memory_space<vmem>> -> memref<32x1024xf32, #tpu.memory_space<vmem>>
    tpu.wait_dma2 semaphore(%dma_wait3A_672 : memref<!tpu.dma_semaphore, #tpu.memory_space<semaphore_mem>>) src(%dma_wait3A_678 : memref<32x1024xf32, #tpu.memory_space<vmem>>) dst(%dma_wait3A_674 : memref<32x1024xf32, #tpu.memory_space<hbm>>)
    %add3A_679 = arith.constant 8192 : i32
    %add3A_680 = arith.addi %add3A_679, %mul3A_2 : i32
    %add3A_681 = arith.constant 32 : i32
    %add3A_682 = arith.addi %add3A_680, %add3A_681 : i32
    %dma_wait3A_683 = arith.constant 1 : i32
    %dma_wait3A_684 = arith.constant 1 : i32
    %dma_wait3A_685 = arith.constant 0 : i32
    %dma_wait3A_686 = arith.constant 0 : i32
    %dma_wait3A_687 = tpu.memref_slice %arg4[%dma_wait3A_683, %dma_wait3A_685, %dma_wait3A_686] : memref<2x32x1024xf32, #tpu.memory_space<vmem>> -> memref<1x32x1024xf32, #tpu.memory_space<vmem>>
    %dma_wait3A_688 = tpu.memref_squeeze %dma_wait3A_687 : memref<1x32x1024xf32, #tpu.memory_space<vmem>> -> memref<32x1024xf32, #tpu.memory_space<vmem>>
    %dma_wait3A_689 = arith.constant 0 : i32
    %dma_wait3A_690 = tpu.memref_slice %arg3[%add3A_682, %dma_wait3A_689] : memref<32768x1024xf32, #tpu.memory_space<hbm>> -> memref<32x1024xf32, #tpu.memory_space<hbm>>
    %dma_wait3A_691 = tpu.memref_slice %arg7[%dma_wait3A_684] : memref<2x!tpu.dma_semaphore, #tpu.memory_space<semaphore_mem>> -> memref<1x!tpu.dma_semaphore, #tpu.memory_space<semaphore_mem>>
    %dma_wait3A_692 = tpu.memref_squeeze %dma_wait3A_691 : memref<1x!tpu.dma_semaphore, #tpu.memory_space<semaphore_mem>> -> memref<!tpu.dma_semaphore, #tpu.memory_space<semaphore_mem>>
    %dma_wait3A_693 = arith.constant 0 : i32
    %dma_wait3A_694 = tpu.memref_slice %arg3[%add3A_682, %dma_wait3A_693] : memref<32768x1024xf32, #tpu.memory_space<hbm>> -> memref<32x1024xf32, #tpu.memory_space<hbm>>
    %dma_wait3A_695 = arith.constant 0 : i32
    %dma_wait3A_696 = arith.constant 0 : i32
    %dma_wait3A_697 = tpu.memref_slice %arg4[%dma_wait3A_683, %dma_wait3A_695, %dma_wait3A_696] : memref<2x32x1024xf32, #tpu.memory_space<vmem>> -> memref<1x32x1024xf32, #tpu.memory_space<vmem>>
    %dma_wait3A_698 = tpu.memref_squeeze %dma_wait3A_697 : memref<1x32x1024xf32, #tpu.memory_space<vmem>> -> memref<32x1024xf32, #tpu.memory_space<vmem>>
    tpu.wait_dma2 semaphore(%dma_wait3A_692 : memref<!tpu.dma_semaphore, #tpu.memory_space<semaphore_mem>>) src(%dma_wait3A_698 : memref<32x1024xf32, #tpu.memory_space<vmem>>) dst(%dma_wait3A_694 : memref<32x1024xf32, #tpu.memory_space<hbm>>)
    %add3A_699 = arith.constant 16384 : i32
    %add3A_700 = arith.addi %add3A_699, %mul3A_2 : i32
    %add3A_701 = arith.constant 32 : i32
    %add3A_702 = arith.addi %add3A_700, %add3A_701 : i32
    %dma_wait3A_703 = arith.constant 1 : i32
    %dma_wait3A_704 = arith.constant 1 : i32
    %dma_wait3A_705 = arith.constant 0 : i32
    %dma_wait3A_706 = arith.constant 0 : i32
    %dma_wait3A_707 = tpu.memref_slice %arg4[%dma_wait3A_703, %dma_wait3A_705, %dma_wait3A_706] : memref<2x32x1024xf32, #tpu.memory_space<vmem>> -> memref<1x32x1024xf32, #tpu.memory_space<vmem>>
    %dma_wait3A_708 = tpu.memref_squeeze %dma_wait3A_707 : memref<1x32x1024xf32, #tpu.memory_space<vmem>> -> memref<32x1024xf32, #tpu.memory_space<vmem>>
    %dma_wait3A_709 = arith.constant 0 : i32
    %dma_wait3A_710 = tpu.memref_slice %arg3[%add3A_702, %dma_wait3A_709] : memref<32768x1024xf32, #tpu.memory_space<hbm>> -> memref<32x1024xf32, #tpu.memory_space<hbm>>
    %dma_wait3A_711 = tpu.memref_slice %arg7[%dma_wait3A_704] : memref<2x!tpu.dma_semaphore, #tpu.memory_space<semaphore_mem>> -> memref<1x!tpu.dma_semaphore, #tpu.memory_space<semaphore_mem>>
    %dma_wait3A_712 = tpu.memref_squeeze %dma_wait3A_711 : memref<1x!tpu.dma_semaphore, #tpu.memory_space<semaphore_mem>> -> memref<!tpu.dma_semaphore, #tpu.memory_space<semaphore_mem>>
    %dma_wait3A_713 = arith.constant 0 : i32
    %dma_wait3A_714 = tpu.memref_slice %arg3[%add3A_702, %dma_wait3A_713] : memref<32768x1024xf32, #tpu.memory_space<hbm>> -> memref<32x1024xf32, #tpu.memory_space<hbm>>
    %dma_wait3A_715 = arith.constant 0 : i32
    %dma_wait3A_716 = arith.constant 0 : i32
    %dma_wait3A_717 = tpu.memref_slice %arg4[%dma_wait3A_703, %dma_wait3A_715, %dma_wait3A_716] : memref<2x32x1024xf32, #tpu.memory_space<vmem>> -> memref<1x32x1024xf32, #tpu.memory_space<vmem>>
    %dma_wait3A_718 = tpu.memref_squeeze %dma_wait3A_717 : memref<1x32x1024xf32, #tpu.memory_space<vmem>> -> memref<32x1024xf32, #tpu.memory_space<vmem>>
    tpu.wait_dma2 semaphore(%dma_wait3A_712 : memref<!tpu.dma_semaphore, #tpu.memory_space<semaphore_mem>>) src(%dma_wait3A_718 : memref<32x1024xf32, #tpu.memory_space<vmem>>) dst(%dma_wait3A_714 : memref<32x1024xf32, #tpu.memory_space<hbm>>)
    %add3A_719 = arith.constant 24576 : i32
    %add3A_720 = arith.addi %add3A_719, %mul3A_2 : i32
    %add3A_721 = arith.constant 32 : i32
    %add3A_722 = arith.addi %add3A_720, %add3A_721 : i32
    %dma_wait3A_723 = arith.constant 1 : i32
    %dma_wait3A_724 = arith.constant 1 : i32
    %dma_wait3A_725 = arith.constant 0 : i32
    %dma_wait3A_726 = arith.constant 0 : i32
    %dma_wait3A_727 = tpu.memref_slice %arg4[%dma_wait3A_723, %dma_wait3A_725, %dma_wait3A_726] : memref<2x32x1024xf32, #tpu.memory_space<vmem>> -> memref<1x32x1024xf32, #tpu.memory_space<vmem>>
    %dma_wait3A_728 = tpu.memref_squeeze %dma_wait3A_727 : memref<1x32x1024xf32, #tpu.memory_space<vmem>> -> memref<32x1024xf32, #tpu.memory_space<vmem>>
    %dma_wait3A_729 = arith.constant 0 : i32
    %dma_wait3A_730 = tpu.memref_slice %arg3[%add3A_722, %dma_wait3A_729] : memref<32768x1024xf32, #tpu.memory_space<hbm>> -> memref<32x1024xf32, #tpu.memory_space<hbm>>
    %dma_wait3A_731 = tpu.memref_slice %arg7[%dma_wait3A_724] : memref<2x!tpu.dma_semaphore, #tpu.memory_space<semaphore_mem>> -> memref<1x!tpu.dma_semaphore, #tpu.memory_space<semaphore_mem>>
    %dma_wait3A_732 = tpu.memref_squeeze %dma_wait3A_731 : memref<1x!tpu.dma_semaphore, #tpu.memory_space<semaphore_mem>> -> memref<!tpu.dma_semaphore, #tpu.memory_space<semaphore_mem>>
    %dma_wait3A_733 = arith.constant 0 : i32
    %dma_wait3A_734 = tpu.memref_slice %arg3[%add3A_722, %dma_wait3A_733] : memref<32768x1024xf32, #tpu.memory_space<hbm>> -> memref<32x1024xf32, #tpu.memory_space<hbm>>
    %dma_wait3A_735 = arith.constant 0 : i32
    %dma_wait3A_736 = arith.constant 0 : i32
    %dma_wait3A_737 = tpu.memref_slice %arg4[%dma_wait3A_723, %dma_wait3A_735, %dma_wait3A_736] : memref<2x32x1024xf32, #tpu.memory_space<vmem>> -> memref<1x32x1024xf32, #tpu.memory_space<vmem>>
    %dma_wait3A_738 = tpu.memref_squeeze %dma_wait3A_737 : memref<1x32x1024xf32, #tpu.memory_space<vmem>> -> memref<32x1024xf32, #tpu.memory_space<vmem>>
    tpu.wait_dma2 semaphore(%dma_wait3A_732 : memref<!tpu.dma_semaphore, #tpu.memory_space<semaphore_mem>>) src(%dma_wait3A_738 : memref<32x1024xf32, #tpu.memory_space<vmem>>) dst(%dma_wait3A_734 : memref<32x1024xf32, #tpu.memory_space<hbm>>)
    %add3A_739 = arith.constant 96 : i32
    %add3A_740 = arith.addi %mul3A_2, %add3A_739 : i32
    %dma_start3A_741 = arith.constant 1 : i32
    %dma_start3A_742 = arith.constant 1 : i32
    %dma_start3A_743 = arith.constant 0 : i32
    %dma_start3A_744 = arith.constant 0 : i32
    %dma_start3A_745 = tpu.memref_slice %arg4[%dma_start3A_741, %dma_start3A_743, %dma_start3A_744] : memref<2x32x1024xf32, #tpu.memory_space<vmem>> -> memref<1x32x1024xf32, #tpu.memory_space<vmem>>
    %dma_start3A_746 = tpu.memref_squeeze %dma_start3A_745 : memref<1x32x1024xf32, #tpu.memory_space<vmem>> -> memref<32x1024xf32, #tpu.memory_space<vmem>>
    %dma_start3A_747 = arith.constant 0 : i32
    %dma_start3A_748 = tpu.memref_slice %arg2[%add3A_740, %dma_start3A_747] : memref<8192x1024xf32, #tpu.memory_space<hbm>> -> memref<32x1024xf32, #tpu.memory_space<hbm>>
    %dma_start3A_749 = tpu.memref_slice %arg6[%dma_start3A_742] : memref<2x!tpu.dma_semaphore, #tpu.memory_space<semaphore_mem>> -> memref<1x!tpu.dma_semaphore, #tpu.memory_space<semaphore_mem>>
    %dma_start3A_750 = tpu.memref_squeeze %dma_start3A_749 : memref<1x!tpu.dma_semaphore, #tpu.memory_space<semaphore_mem>> -> memref<!tpu.dma_semaphore, #tpu.memory_space<semaphore_mem>>
    %dma_start3A_751 = arith.constant 0 : i32
    %dma_start3A_752 = arith.constant 0 : i32
    %dma_start3A_753 = tpu.memref_slice %arg4[%dma_start3A_741, %dma_start3A_751, %dma_start3A_752] : memref<2x32x1024xf32, #tpu.memory_space<vmem>> -> memref<1x32x1024xf32, #tpu.memory_space<vmem>>
    %dma_start3A_754 = tpu.memref_squeeze %dma_start3A_753 : memref<1x32x1024xf32, #tpu.memory_space<vmem>> -> memref<32x1024xf32, #tpu.memory_space<vmem>>
    %dma_start3A_755 = arith.constant 0 : i32
    %dma_start3A_756 = tpu.memref_slice %arg2[%add3A_740, %dma_start3A_755] : memref<8192x1024xf32, #tpu.memory_space<hbm>> -> memref<32x1024xf32, #tpu.memory_space<hbm>>
    tpu.enqueue_dma source(%dma_start3A_756 : memref<32x1024xf32, #tpu.memory_space<hbm>>) target(%dma_start3A_754 : memref<32x1024xf32, #tpu.memory_space<vmem>>) target_semaphore(%dma_start3A_750 : memref<!tpu.dma_semaphore, #tpu.memory_space<semaphore_mem>>)
    %add3A_757 = arith.constant 64 : i32
    %add3A_758 = arith.addi %add3A_4, %add3A_757 : i32
    %dma_wait3A_759 = arith.constant 0 : i32
    %dma_wait3A_760 = arith.constant 0 : i32
    %dma_wait3A_761 = tpu.memref_slice %arg8[%dma_wait3A_760] : memref<2x!tpu.dma_semaphore, #tpu.memory_space<semaphore_mem>> -> memref<1x!tpu.dma_semaphore, #tpu.memory_space<semaphore_mem>>
    %dma_wait3A_762 = tpu.memref_squeeze %dma_wait3A_761 : memref<1x!tpu.dma_semaphore, #tpu.memory_space<semaphore_mem>> -> memref<!tpu.dma_semaphore, #tpu.memory_space<semaphore_mem>>
    %dma_wait3A_763 = arith.constant 0 : i32
    %dma_wait3A_764 = arith.constant 0 : i32
    %dma_wait3A_765 = tpu.memref_slice %arg5[%arg1, %dma_wait3A_759, %dma_wait3A_763, %dma_wait3A_764] : memref<16x2x32x1024xf32, #tpu.memory_space<vmem_shared>> -> memref<1x1x32x1024xf32, #tpu.memory_space<vmem_shared>>
    %dma_wait3A_766 = tpu.memref_squeeze %dma_wait3A_765 : memref<1x1x32x1024xf32, #tpu.memory_space<vmem_shared>> -> memref<32x1024xf32, #tpu.memory_space<vmem_shared>>
    %dma_wait3A_767 = arith.constant 0 : i32
    %dma_wait3A_768 = tpu.memref_slice %arg2[%add3A_758, %dma_wait3A_767] : memref<8192x1024xf32, #tpu.memory_space<hbm>> -> memref<32x1024xf32, #tpu.memory_space<hbm>>
    tpu.wait_dma2 semaphore(%dma_wait3A_762 : memref<!tpu.dma_semaphore, #tpu.memory_space<semaphore_mem>>) src(%dma_wait3A_768 : memref<32x1024xf32, #tpu.memory_space<hbm>>) dst(%dma_wait3A_766 : memref<32x1024xf32, #tpu.memory_space<vmem_shared>>)
    %add3A_769 = arith.constant 0 : i32
    %add3A_770 = arith.addi %add3A_769, %add3A_4 : i32
    %add3A_771 = arith.constant 64 : i32
    %add3A_772 = arith.addi %add3A_770, %add3A_771 : i32
    %dma_start3A_773 = arith.constant 0 : i32
    %dma_start3A_774 = arith.constant 0 : i32
    %dma_start3A_775 = tpu.memref_slice %arg9[%dma_start3A_774] : memref<2x!tpu.dma_semaphore, #tpu.memory_space<semaphore_mem>> -> memref<1x!tpu.dma_semaphore, #tpu.memory_space<semaphore_mem>>
    %dma_start3A_776 = tpu.memref_squeeze %dma_start3A_775 : memref<1x!tpu.dma_semaphore, #tpu.memory_space<semaphore_mem>> -> memref<!tpu.dma_semaphore, #tpu.memory_space<semaphore_mem>>
    %dma_start3A_777 = arith.constant 0 : i32
    %dma_start3A_778 = tpu.memref_slice %arg3[%add3A_772, %dma_start3A_777] : memref<32768x1024xf32, #tpu.memory_space<hbm>> -> memref<32x1024xf32, #tpu.memory_space<hbm>>
    %dma_start3A_779 = arith.constant 0 : i32
    %dma_start3A_780 = arith.constant 0 : i32
    %dma_start3A_781 = tpu.memref_slice %arg5[%arg1, %dma_start3A_773, %dma_start3A_779, %dma_start3A_780] : memref<16x2x32x1024xf32, #tpu.memory_space<vmem_shared>> -> memref<1x1x32x1024xf32, #tpu.memory_space<vmem_shared>>
    %dma_start3A_782 = tpu.memref_squeeze %dma_start3A_781 : memref<1x1x32x1024xf32, #tpu.memory_space<vmem_shared>> -> memref<32x1024xf32, #tpu.memory_space<vmem_shared>>
    tpu.enqueue_dma source(%dma_start3A_782 : memref<32x1024xf32, #tpu.memory_space<vmem_shared>>) target(%dma_start3A_778 : memref<32x1024xf32, #tpu.memory_space<hbm>>) target_semaphore(%dma_start3A_776 : memref<!tpu.dma_semaphore, #tpu.memory_space<semaphore_mem>>)
    %add3A_783 = arith.constant 8192 : i32
    %add3A_784 = arith.addi %add3A_783, %add3A_4 : i32
    %add3A_785 = arith.constant 64 : i32
    %add3A_786 = arith.addi %add3A_784, %add3A_785 : i32
    %dma_start3A_787 = arith.constant 0 : i32
    %dma_start3A_788 = arith.constant 0 : i32
    %dma_start3A_789 = tpu.memref_slice %arg9[%dma_start3A_788] : memref<2x!tpu.dma_semaphore, #tpu.memory_space<semaphore_mem>> -> memref<1x!tpu.dma_semaphore, #tpu.memory_space<semaphore_mem>>
    %dma_start3A_790 = tpu.memref_squeeze %dma_start3A_789 : memref<1x!tpu.dma_semaphore, #tpu.memory_space<semaphore_mem>> -> memref<!tpu.dma_semaphore, #tpu.memory_space<semaphore_mem>>
    %dma_start3A_791 = arith.constant 0 : i32
    %dma_start3A_792 = tpu.memref_slice %arg3[%add3A_786, %dma_start3A_791] : memref<32768x1024xf32, #tpu.memory_space<hbm>> -> memref<32x1024xf32, #tpu.memory_space<hbm>>
    %dma_start3A_793 = arith.constant 0 : i32
    %dma_start3A_794 = arith.constant 0 : i32
    %dma_start3A_795 = tpu.memref_slice %arg5[%arg1, %dma_start3A_787, %dma_start3A_793, %dma_start3A_794] : memref<16x2x32x1024xf32, #tpu.memory_space<vmem_shared>> -> memref<1x1x32x1024xf32, #tpu.memory_space<vmem_shared>>
    %dma_start3A_796 = tpu.memref_squeeze %dma_start3A_795 : memref<1x1x32x1024xf32, #tpu.memory_space<vmem_shared>> -> memref<32x1024xf32, #tpu.memory_space<vmem_shared>>
    tpu.enqueue_dma source(%dma_start3A_796 : memref<32x1024xf32, #tpu.memory_space<vmem_shared>>) target(%dma_start3A_792 : memref<32x1024xf32, #tpu.memory_space<hbm>>) target_semaphore(%dma_start3A_790 : memref<!tpu.dma_semaphore, #tpu.memory_space<semaphore_mem>>)
    %add3A_797 = arith.constant 16384 : i32
    %add3A_798 = arith.addi %add3A_797, %add3A_4 : i32
    %add3A_799 = arith.constant 64 : i32
    %add3A_800 = arith.addi %add3A_798, %add3A_799 : i32
    %dma_start3A_801 = arith.constant 0 : i32
    %dma_start3A_802 = arith.constant 0 : i32
    %dma_start3A_803 = tpu.memref_slice %arg9[%dma_start3A_802] : memref<2x!tpu.dma_semaphore, #tpu.memory_space<semaphore_mem>> -> memref<1x!tpu.dma_semaphore, #tpu.memory_space<semaphore_mem>>
    %dma_start3A_804 = tpu.memref_squeeze %dma_start3A_803 : memref<1x!tpu.dma_semaphore, #tpu.memory_space<semaphore_mem>> -> memref<!tpu.dma_semaphore, #tpu.memory_space<semaphore_mem>>
    %dma_start3A_805 = arith.constant 0 : i32
    %dma_start3A_806 = tpu.memref_slice %arg3[%add3A_800, %dma_start3A_805] : memref<32768x1024xf32, #tpu.memory_space<hbm>> -> memref<32x1024xf32, #tpu.memory_space<hbm>>
    %dma_start3A_807 = arith.constant 0 : i32
    %dma_start3A_808 = arith.constant 0 : i32
    %dma_start3A_809 = tpu.memref_slice %arg5[%arg1, %dma_start3A_801, %dma_start3A_807, %dma_start3A_808] : memref<16x2x32x1024xf32, #tpu.memory_space<vmem_shared>> -> memref<1x1x32x1024xf32, #tpu.memory_space<vmem_shared>>
    %dma_start3A_810 = tpu.memref_squeeze %dma_start3A_809 : memref<1x1x32x1024xf32, #tpu.memory_space<vmem_shared>> -> memref<32x1024xf32, #tpu.memory_space<vmem_shared>>
    tpu.enqueue_dma source(%dma_start3A_810 : memref<32x1024xf32, #tpu.memory_space<vmem_shared>>) target(%dma_start3A_806 : memref<32x1024xf32, #tpu.memory_space<hbm>>) target_semaphore(%dma_start3A_804 : memref<!tpu.dma_semaphore, #tpu.memory_space<semaphore_mem>>)
    %add3A_811 = arith.constant 24576 : i32
    %add3A_812 = arith.addi %add3A_811, %add3A_4 : i32
    %add3A_813 = arith.constant 64 : i32
    %add3A_814 = arith.addi %add3A_812, %add3A_813 : i32
    %dma_start3A_815 = arith.constant 0 : i32
    %dma_start3A_816 = arith.constant 0 : i32
    %dma_start3A_817 = tpu.memref_slice %arg9[%dma_start3A_816] : memref<2x!tpu.dma_semaphore, #tpu.memory_space<semaphore_mem>> -> memref<1x!tpu.dma_semaphore, #tpu.memory_space<semaphore_mem>>
    %dma_start3A_818 = tpu.memref_squeeze %dma_start3A_817 : memref<1x!tpu.dma_semaphore, #tpu.memory_space<semaphore_mem>> -> memref<!tpu.dma_semaphore, #tpu.memory_space<semaphore_mem>>
    %dma_start3A_819 = arith.constant 0 : i32
    %dma_start3A_820 = tpu.memref_slice %arg3[%add3A_814, %dma_start3A_819] : memref<32768x1024xf32, #tpu.memory_space<hbm>> -> memref<32x1024xf32, #tpu.memory_space<hbm>>
    %dma_start3A_821 = arith.constant 0 : i32
    %dma_start3A_822 = arith.constant 0 : i32
    %dma_start3A_823 = tpu.memref_slice %arg5[%arg1, %dma_start3A_815, %dma_start3A_821, %dma_start3A_822] : memref<16x2x32x1024xf32, #tpu.memory_space<vmem_shared>> -> memref<1x1x32x1024xf32, #tpu.memory_space<vmem_shared>>
    %dma_start3A_824 = tpu.memref_squeeze %dma_start3A_823 : memref<1x1x32x1024xf32, #tpu.memory_space<vmem_shared>> -> memref<32x1024xf32, #tpu.memory_space<vmem_shared>>
    tpu.enqueue_dma source(%dma_start3A_824 : memref<32x1024xf32, #tpu.memory_space<vmem_shared>>) target(%dma_start3A_820 : memref<32x1024xf32, #tpu.memory_space<hbm>>) target_semaphore(%dma_start3A_818 : memref<!tpu.dma_semaphore, #tpu.memory_space<semaphore_mem>>)
    %add3A_825 = arith.constant 96 : i32
    %add3A_826 = arith.addi %mul3A_2, %add3A_825 : i32
    %dma_wait3A_827 = arith.constant 1 : i32
    %dma_wait3A_828 = arith.constant 1 : i32
    %dma_wait3A_829 = arith.constant 0 : i32
    %dma_wait3A_830 = arith.constant 0 : i32
    %dma_wait3A_831 = tpu.memref_slice %arg4[%dma_wait3A_827, %dma_wait3A_829, %dma_wait3A_830] : memref<2x32x1024xf32, #tpu.memory_space<vmem>> -> memref<1x32x1024xf32, #tpu.memory_space<vmem>>
    %dma_wait3A_832 = tpu.memref_squeeze %dma_wait3A_831 : memref<1x32x1024xf32, #tpu.memory_space<vmem>> -> memref<32x1024xf32, #tpu.memory_space<vmem>>
    %dma_wait3A_833 = arith.constant 0 : i32
    %dma_wait3A_834 = tpu.memref_slice %arg2[%add3A_826, %dma_wait3A_833] : memref<8192x1024xf32, #tpu.memory_space<hbm>> -> memref<32x1024xf32, #tpu.memory_space<hbm>>
    %dma_wait3A_835 = tpu.memref_slice %arg6[%dma_wait3A_828] : memref<2x!tpu.dma_semaphore, #tpu.memory_space<semaphore_mem>> -> memref<1x!tpu.dma_semaphore, #tpu.memory_space<semaphore_mem>>
    %dma_wait3A_836 = tpu.memref_squeeze %dma_wait3A_835 : memref<1x!tpu.dma_semaphore, #tpu.memory_space<semaphore_mem>> -> memref<!tpu.dma_semaphore, #tpu.memory_space<semaphore_mem>>
    %dma_wait3A_837 = arith.constant 0 : i32
    %dma_wait3A_838 = arith.constant 0 : i32
    %dma_wait3A_839 = tpu.memref_slice %arg4[%dma_wait3A_827, %dma_wait3A_837, %dma_wait3A_838] : memref<2x32x1024xf32, #tpu.memory_space<vmem>> -> memref<1x32x1024xf32, #tpu.memory_space<vmem>>
    %dma_wait3A_840 = tpu.memref_squeeze %dma_wait3A_839 : memref<1x32x1024xf32, #tpu.memory_space<vmem>> -> memref<32x1024xf32, #tpu.memory_space<vmem>>
    %dma_wait3A_841 = arith.constant 0 : i32
    %dma_wait3A_842 = tpu.memref_slice %arg2[%add3A_826, %dma_wait3A_841] : memref<8192x1024xf32, #tpu.memory_space<hbm>> -> memref<32x1024xf32, #tpu.memory_space<hbm>>
    tpu.wait_dma2 semaphore(%dma_wait3A_836 : memref<!tpu.dma_semaphore, #tpu.memory_space<semaphore_mem>>) src(%dma_wait3A_842 : memref<32x1024xf32, #tpu.memory_space<hbm>>) dst(%dma_wait3A_840 : memref<32x1024xf32, #tpu.memory_space<vmem>>)
    %add3A_843 = arith.constant 0 : i32
    %add3A_844 = arith.addi %add3A_843, %mul3A_2 : i32
    %add3A_845 = arith.constant 96 : i32
    %add3A_846 = arith.addi %add3A_844, %add3A_845 : i32
    %dma_start3A_847 = arith.constant 1 : i32
    %dma_start3A_848 = arith.constant 1 : i32
    %dma_start3A_849 = arith.constant 0 : i32
    %dma_start3A_850 = arith.constant 0 : i32
    %dma_start3A_851 = tpu.memref_slice %arg4[%dma_start3A_847, %dma_start3A_849, %dma_start3A_850] : memref<2x32x1024xf32, #tpu.memory_space<vmem>> -> memref<1x32x1024xf32, #tpu.memory_space<vmem>>
    %dma_start3A_852 = tpu.memref_squeeze %dma_start3A_851 : memref<1x32x1024xf32, #tpu.memory_space<vmem>> -> memref<32x1024xf32, #tpu.memory_space<vmem>>
    %dma_start3A_853 = arith.constant 0 : i32
    %dma_start3A_854 = tpu.memref_slice %arg3[%add3A_846, %dma_start3A_853] : memref<32768x1024xf32, #tpu.memory_space<hbm>> -> memref<32x1024xf32, #tpu.memory_space<hbm>>
    %dma_start3A_855 = tpu.memref_slice %arg7[%dma_start3A_848] : memref<2x!tpu.dma_semaphore, #tpu.memory_space<semaphore_mem>> -> memref<1x!tpu.dma_semaphore, #tpu.memory_space<semaphore_mem>>
    %dma_start3A_856 = tpu.memref_squeeze %dma_start3A_855 : memref<1x!tpu.dma_semaphore, #tpu.memory_space<semaphore_mem>> -> memref<!tpu.dma_semaphore, #tpu.memory_space<semaphore_mem>>
    %dma_start3A_857 = arith.constant 0 : i32
    %dma_start3A_858 = tpu.memref_slice %arg3[%add3A_846, %dma_start3A_857] : memref<32768x1024xf32, #tpu.memory_space<hbm>> -> memref<32x1024xf32, #tpu.memory_space<hbm>>
    %dma_start3A_859 = arith.constant 0 : i32
    %dma_start3A_860 = arith.constant 0 : i32
    %dma_start3A_861 = tpu.memref_slice %arg4[%dma_start3A_847, %dma_start3A_859, %dma_start3A_860] : memref<2x32x1024xf32, #tpu.memory_space<vmem>> -> memref<1x32x1024xf32, #tpu.memory_space<vmem>>
    %dma_start3A_862 = tpu.memref_squeeze %dma_start3A_861 : memref<1x32x1024xf32, #tpu.memory_space<vmem>> -> memref<32x1024xf32, #tpu.memory_space<vmem>>
    tpu.enqueue_dma source(%dma_start3A_862 : memref<32x1024xf32, #tpu.memory_space<vmem>>) target(%dma_start3A_858 : memref<32x1024xf32, #tpu.memory_space<hbm>>) target_semaphore(%dma_start3A_856 : memref<!tpu.dma_semaphore, #tpu.memory_space<semaphore_mem>>)
    %add3A_863 = arith.constant 8192 : i32
    %add3A_864 = arith.addi %add3A_863, %mul3A_2 : i32
    %add3A_865 = arith.constant 96 : i32
    %add3A_866 = arith.addi %add3A_864, %add3A_865 : i32
    %dma_start3A_867 = arith.constant 1 : i32
    %dma_start3A_868 = arith.constant 1 : i32
    %dma_start3A_869 = arith.constant 0 : i32
    %dma_start3A_870 = arith.constant 0 : i32
    %dma_start3A_871 = tpu.memref_slice %arg4[%dma_start3A_867, %dma_start3A_869, %dma_start3A_870] : memref<2x32x1024xf32, #tpu.memory_space<vmem>> -> memref<1x32x1024xf32, #tpu.memory_space<vmem>>
    %dma_start3A_872 = tpu.memref_squeeze %dma_start3A_871 : memref<1x32x1024xf32, #tpu.memory_space<vmem>> -> memref<32x1024xf32, #tpu.memory_space<vmem>>
    %dma_start3A_873 = arith.constant 0 : i32
    %dma_start3A_874 = tpu.memref_slice %arg3[%add3A_866, %dma_start3A_873] : memref<32768x1024xf32, #tpu.memory_space<hbm>> -> memref<32x1024xf32, #tpu.memory_space<hbm>>
    %dma_start3A_875 = tpu.memref_slice %arg7[%dma_start3A_868] : memref<2x!tpu.dma_semaphore, #tpu.memory_space<semaphore_mem>> -> memref<1x!tpu.dma_semaphore, #tpu.memory_space<semaphore_mem>>
    %dma_start3A_876 = tpu.memref_squeeze %dma_start3A_875 : memref<1x!tpu.dma_semaphore, #tpu.memory_space<semaphore_mem>> -> memref<!tpu.dma_semaphore, #tpu.memory_space<semaphore_mem>>
    %dma_start3A_877 = arith.constant 0 : i32
    %dma_start3A_878 = tpu.memref_slice %arg3[%add3A_866, %dma_start3A_877] : memref<32768x1024xf32, #tpu.memory_space<hbm>> -> memref<32x1024xf32, #tpu.memory_space<hbm>>
    %dma_start3A_879 = arith.constant 0 : i32
    %dma_start3A_880 = arith.constant 0 : i32
    %dma_start3A_881 = tpu.memref_slice %arg4[%dma_start3A_867, %dma_start3A_879, %dma_start3A_880] : memref<2x32x1024xf32, #tpu.memory_space<vmem>> -> memref<1x32x1024xf32, #tpu.memory_space<vmem>>
    %dma_start3A_882 = tpu.memref_squeeze %dma_start3A_881 : memref<1x32x1024xf32, #tpu.memory_space<vmem>> -> memref<32x1024xf32, #tpu.memory_space<vmem>>
    tpu.enqueue_dma source(%dma_start3A_882 : memref<32x1024xf32, #tpu.memory_space<vmem>>) target(%dma_start3A_878 : memref<32x1024xf32, #tpu.memory_space<hbm>>) target_semaphore(%dma_start3A_876 : memref<!tpu.dma_semaphore, #tpu.memory_space<semaphore_mem>>)
    %add3A_883 = arith.constant 16384 : i32
    %add3A_884 = arith.addi %add3A_883, %mul3A_2 : i32
    %add3A_885 = arith.constant 96 : i32
    %add3A_886 = arith.addi %add3A_884, %add3A_885 : i32
    %dma_start3A_887 = arith.constant 1 : i32
    %dma_start3A_888 = arith.constant 1 : i32
    %dma_start3A_889 = arith.constant 0 : i32
    %dma_start3A_890 = arith.constant 0 : i32
    %dma_start3A_891 = tpu.memref_slice %arg4[%dma_start3A_887, %dma_start3A_889, %dma_start3A_890] : memref<2x32x1024xf32, #tpu.memory_space<vmem>> -> memref<1x32x1024xf32, #tpu.memory_space<vmem>>
    %dma_start3A_892 = tpu.memref_squeeze %dma_start3A_891 : memref<1x32x1024xf32, #tpu.memory_space<vmem>> -> memref<32x1024xf32, #tpu.memory_space<vmem>>
    %dma_start3A_893 = arith.constant 0 : i32
    %dma_start3A_894 = tpu.memref_slice %arg3[%add3A_886, %dma_start3A_893] : memref<32768x1024xf32, #tpu.memory_space<hbm>> -> memref<32x1024xf32, #tpu.memory_space<hbm>>
    %dma_start3A_895 = tpu.memref_slice %arg7[%dma_start3A_888] : memref<2x!tpu.dma_semaphore, #tpu.memory_space<semaphore_mem>> -> memref<1x!tpu.dma_semaphore, #tpu.memory_space<semaphore_mem>>
    %dma_start3A_896 = tpu.memref_squeeze %dma_start3A_895 : memref<1x!tpu.dma_semaphore, #tpu.memory_space<semaphore_mem>> -> memref<!tpu.dma_semaphore, #tpu.memory_space<semaphore_mem>>
    %dma_start3A_897 = arith.constant 0 : i32
    %dma_start3A_898 = tpu.memref_slice %arg3[%add3A_886, %dma_start3A_897] : memref<32768x1024xf32, #tpu.memory_space<hbm>> -> memref<32x1024xf32, #tpu.memory_space<hbm>>
    %dma_start3A_899 = arith.constant 0 : i32
    %dma_start3A_900 = arith.constant 0 : i32
    %dma_start3A_901 = tpu.memref_slice %arg4[%dma_start3A_887, %dma_start3A_899, %dma_start3A_900] : memref<2x32x1024xf32, #tpu.memory_space<vmem>> -> memref<1x32x1024xf32, #tpu.memory_space<vmem>>
    %dma_start3A_902 = tpu.memref_squeeze %dma_start3A_901 : memref<1x32x1024xf32, #tpu.memory_space<vmem>> -> memref<32x1024xf32, #tpu.memory_space<vmem>>
    tpu.enqueue_dma source(%dma_start3A_902 : memref<32x1024xf32, #tpu.memory_space<vmem>>) target(%dma_start3A_898 : memref<32x1024xf32, #tpu.memory_space<hbm>>) target_semaphore(%dma_start3A_896 : memref<!tpu.dma_semaphore, #tpu.memory_space<semaphore_mem>>)
    %add3A_903 = arith.constant 24576 : i32
    %add3A_904 = arith.addi %add3A_903, %mul3A_2 : i32
    %add3A_905 = arith.constant 96 : i32
    %add3A_906 = arith.addi %add3A_904, %add3A_905 : i32
    %dma_start3A_907 = arith.constant 1 : i32
    %dma_start3A_908 = arith.constant 1 : i32
    %dma_start3A_909 = arith.constant 0 : i32
    %dma_start3A_910 = arith.constant 0 : i32
    %dma_start3A_911 = tpu.memref_slice %arg4[%dma_start3A_907, %dma_start3A_909, %dma_start3A_910] : memref<2x32x1024xf32, #tpu.memory_space<vmem>> -> memref<1x32x1024xf32, #tpu.memory_space<vmem>>
    %dma_start3A_912 = tpu.memref_squeeze %dma_start3A_911 : memref<1x32x1024xf32, #tpu.memory_space<vmem>> -> memref<32x1024xf32, #tpu.memory_space<vmem>>
    %dma_start3A_913 = arith.constant 0 : i32
    %dma_start3A_914 = tpu.memref_slice %arg3[%add3A_906, %dma_start3A_913] : memref<32768x1024xf32, #tpu.memory_space<hbm>> -> memref<32x1024xf32, #tpu.memory_space<hbm>>
    %dma_start3A_915 = tpu.memref_slice %arg7[%dma_start3A_908] : memref<2x!tpu.dma_semaphore, #tpu.memory_space<semaphore_mem>> -> memref<1x!tpu.dma_semaphore, #tpu.memory_space<semaphore_mem>>
    %dma_start3A_916 = tpu.memref_squeeze %dma_start3A_915 : memref<1x!tpu.dma_semaphore, #tpu.memory_space<semaphore_mem>> -> memref<!tpu.dma_semaphore, #tpu.memory_space<semaphore_mem>>
    %dma_start3A_917 = arith.constant 0 : i32
    %dma_start3A_918 = tpu.memref_slice %arg3[%add3A_906, %dma_start3A_917] : memref<32768x1024xf32, #tpu.memory_space<hbm>> -> memref<32x1024xf32, #tpu.memory_space<hbm>>
    %dma_start3A_919 = arith.constant 0 : i32
    %dma_start3A_920 = arith.constant 0 : i32
    %dma_start3A_921 = tpu.memref_slice %arg4[%dma_start3A_907, %dma_start3A_919, %dma_start3A_920] : memref<2x32x1024xf32, #tpu.memory_space<vmem>> -> memref<1x32x1024xf32, #tpu.memory_space<vmem>>
    %dma_start3A_922 = tpu.memref_squeeze %dma_start3A_921 : memref<1x32x1024xf32, #tpu.memory_space<vmem>> -> memref<32x1024xf32, #tpu.memory_space<vmem>>
    tpu.enqueue_dma source(%dma_start3A_922 : memref<32x1024xf32, #tpu.memory_space<vmem>>) target(%dma_start3A_918 : memref<32x1024xf32, #tpu.memory_space<hbm>>) target_semaphore(%dma_start3A_916 : memref<!tpu.dma_semaphore, #tpu.memory_space<semaphore_mem>>)
    %add3A_923 = arith.constant 0 : i32
    %add3A_924 = arith.addi %add3A_923, %mul3A_2 : i32
    %add3A_925 = arith.constant 64 : i32
    %add3A_926 = arith.addi %add3A_924, %add3A_925 : i32
    %dma_wait3A_927 = arith.constant 0 : i32
    %dma_wait3A_928 = arith.constant 0 : i32
    %dma_wait3A_929 = arith.constant 0 : i32
    %dma_wait3A_930 = arith.constant 0 : i32
    %dma_wait3A_931 = tpu.memref_slice %arg4[%dma_wait3A_927, %dma_wait3A_929, %dma_wait3A_930] : memref<2x32x1024xf32, #tpu.memory_space<vmem>> -> memref<1x32x1024xf32, #tpu.memory_space<vmem>>
    %dma_wait3A_932 = tpu.memref_squeeze %dma_wait3A_931 : memref<1x32x1024xf32, #tpu.memory_space<vmem>> -> memref<32x1024xf32, #tpu.memory_space<vmem>>
    %dma_wait3A_933 = arith.constant 0 : i32
    %dma_wait3A_934 = tpu.memref_slice %arg3[%add3A_926, %dma_wait3A_933] : memref<32768x1024xf32, #tpu.memory_space<hbm>> -> memref<32x1024xf32, #tpu.memory_space<hbm>>
    %dma_wait3A_935 = tpu.memref_slice %arg7[%dma_wait3A_928] : memref<2x!tpu.dma_semaphore, #tpu.memory_space<semaphore_mem>> -> memref<1x!tpu.dma_semaphore, #tpu.memory_space<semaphore_mem>>
    %dma_wait3A_936 = tpu.memref_squeeze %dma_wait3A_935 : memref<1x!tpu.dma_semaphore, #tpu.memory_space<semaphore_mem>> -> memref<!tpu.dma_semaphore, #tpu.memory_space<semaphore_mem>>
    %dma_wait3A_937 = arith.constant 0 : i32
    %dma_wait3A_938 = tpu.memref_slice %arg3[%add3A_926, %dma_wait3A_937] : memref<32768x1024xf32, #tpu.memory_space<hbm>> -> memref<32x1024xf32, #tpu.memory_space<hbm>>
    %dma_wait3A_939 = arith.constant 0 : i32
    %dma_wait3A_940 = arith.constant 0 : i32
    %dma_wait3A_941 = tpu.memref_slice %arg4[%dma_wait3A_927, %dma_wait3A_939, %dma_wait3A_940] : memref<2x32x1024xf32, #tpu.memory_space<vmem>> -> memref<1x32x1024xf32, #tpu.memory_space<vmem>>
    %dma_wait3A_942 = tpu.memref_squeeze %dma_wait3A_941 : memref<1x32x1024xf32, #tpu.memory_space<vmem>> -> memref<32x1024xf32, #tpu.memory_space<vmem>>
    tpu.wait_dma2 semaphore(%dma_wait3A_936 : memref<!tpu.dma_semaphore, #tpu.memory_space<semaphore_mem>>) src(%dma_wait3A_942 : memref<32x1024xf32, #tpu.memory_space<vmem>>) dst(%dma_wait3A_938 : memref<32x1024xf32, #tpu.memory_space<hbm>>)
    %add3A_943 = arith.constant 8192 : i32
    %add3A_944 = arith.addi %add3A_943, %mul3A_2 : i32
    %add3A_945 = arith.constant 64 : i32
    %add3A_946 = arith.addi %add3A_944, %add3A_945 : i32
    %dma_wait3A_947 = arith.constant 0 : i32
    %dma_wait3A_948 = arith.constant 0 : i32
    %dma_wait3A_949 = arith.constant 0 : i32
    %dma_wait3A_950 = arith.constant 0 : i32
    %dma_wait3A_951 = tpu.memref_slice %arg4[%dma_wait3A_947, %dma_wait3A_949, %dma_wait3A_950] : memref<2x32x1024xf32, #tpu.memory_space<vmem>> -> memref<1x32x1024xf32, #tpu.memory_space<vmem>>
    %dma_wait3A_952 = tpu.memref_squeeze %dma_wait3A_951 : memref<1x32x1024xf32, #tpu.memory_space<vmem>> -> memref<32x1024xf32, #tpu.memory_space<vmem>>
    %dma_wait3A_953 = arith.constant 0 : i32
    %dma_wait3A_954 = tpu.memref_slice %arg3[%add3A_946, %dma_wait3A_953] : memref<32768x1024xf32, #tpu.memory_space<hbm>> -> memref<32x1024xf32, #tpu.memory_space<hbm>>
    %dma_wait3A_955 = tpu.memref_slice %arg7[%dma_wait3A_948] : memref<2x!tpu.dma_semaphore, #tpu.memory_space<semaphore_mem>> -> memref<1x!tpu.dma_semaphore, #tpu.memory_space<semaphore_mem>>
    %dma_wait3A_956 = tpu.memref_squeeze %dma_wait3A_955 : memref<1x!tpu.dma_semaphore, #tpu.memory_space<semaphore_mem>> -> memref<!tpu.dma_semaphore, #tpu.memory_space<semaphore_mem>>
    %dma_wait3A_957 = arith.constant 0 : i32
    %dma_wait3A_958 = tpu.memref_slice %arg3[%add3A_946, %dma_wait3A_957] : memref<32768x1024xf32, #tpu.memory_space<hbm>> -> memref<32x1024xf32, #tpu.memory_space<hbm>>
    %dma_wait3A_959 = arith.constant 0 : i32
    %dma_wait3A_960 = arith.constant 0 : i32
    %dma_wait3A_961 = tpu.memref_slice %arg4[%dma_wait3A_947, %dma_wait3A_959, %dma_wait3A_960] : memref<2x32x1024xf32, #tpu.memory_space<vmem>> -> memref<1x32x1024xf32, #tpu.memory_space<vmem>>
    %dma_wait3A_962 = tpu.memref_squeeze %dma_wait3A_961 : memref<1x32x1024xf32, #tpu.memory_space<vmem>> -> memref<32x1024xf32, #tpu.memory_space<vmem>>
    tpu.wait_dma2 semaphore(%dma_wait3A_956 : memref<!tpu.dma_semaphore, #tpu.memory_space<semaphore_mem>>) src(%dma_wait3A_962 : memref<32x1024xf32, #tpu.memory_space<vmem>>) dst(%dma_wait3A_958 : memref<32x1024xf32, #tpu.memory_space<hbm>>)
    %add3A_963 = arith.constant 16384 : i32
    %add3A_964 = arith.addi %add3A_963, %mul3A_2 : i32
    %add3A_965 = arith.constant 64 : i32
    %add3A_966 = arith.addi %add3A_964, %add3A_965 : i32
    %dma_wait3A_967 = arith.constant 0 : i32
    %dma_wait3A_968 = arith.constant 0 : i32
    %dma_wait3A_969 = arith.constant 0 : i32
    %dma_wait3A_970 = arith.constant 0 : i32
    %dma_wait3A_971 = tpu.memref_slice %arg4[%dma_wait3A_967, %dma_wait3A_969, %dma_wait3A_970] : memref<2x32x1024xf32, #tpu.memory_space<vmem>> -> memref<1x32x1024xf32, #tpu.memory_space<vmem>>
    %dma_wait3A_972 = tpu.memref_squeeze %dma_wait3A_971 : memref<1x32x1024xf32, #tpu.memory_space<vmem>> -> memref<32x1024xf32, #tpu.memory_space<vmem>>
    %dma_wait3A_973 = arith.constant 0 : i32
    %dma_wait3A_974 = tpu.memref_slice %arg3[%add3A_966, %dma_wait3A_973] : memref<32768x1024xf32, #tpu.memory_space<hbm>> -> memref<32x1024xf32, #tpu.memory_space<hbm>>
    %dma_wait3A_975 = tpu.memref_slice %arg7[%dma_wait3A_968] : memref<2x!tpu.dma_semaphore, #tpu.memory_space<semaphore_mem>> -> memref<1x!tpu.dma_semaphore, #tpu.memory_space<semaphore_mem>>
    %dma_wait3A_976 = tpu.memref_squeeze %dma_wait3A_975 : memref<1x!tpu.dma_semaphore, #tpu.memory_space<semaphore_mem>> -> memref<!tpu.dma_semaphore, #tpu.memory_space<semaphore_mem>>
    %dma_wait3A_977 = arith.constant 0 : i32
    %dma_wait3A_978 = tpu.memref_slice %arg3[%add3A_966, %dma_wait3A_977] : memref<32768x1024xf32, #tpu.memory_space<hbm>> -> memref<32x1024xf32, #tpu.memory_space<hbm>>
    %dma_wait3A_979 = arith.constant 0 : i32
    %dma_wait3A_980 = arith.constant 0 : i32
    %dma_wait3A_981 = tpu.memref_slice %arg4[%dma_wait3A_967, %dma_wait3A_979, %dma_wait3A_980] : memref<2x32x1024xf32, #tpu.memory_space<vmem>> -> memref<1x32x1024xf32, #tpu.memory_space<vmem>>
    %dma_wait3A_982 = tpu.memref_squeeze %dma_wait3A_981 : memref<1x32x1024xf32, #tpu.memory_space<vmem>> -> memref<32x1024xf32, #tpu.memory_space<vmem>>
    tpu.wait_dma2 semaphore(%dma_wait3A_976 : memref<!tpu.dma_semaphore, #tpu.memory_space<semaphore_mem>>) src(%dma_wait3A_982 : memref<32x1024xf32, #tpu.memory_space<vmem>>) dst(%dma_wait3A_978 : memref<32x1024xf32, #tpu.memory_space<hbm>>)
    %add3A_983 = arith.constant 24576 : i32
    %add3A_984 = arith.addi %add3A_983, %mul3A_2 : i32
    %add3A_985 = arith.constant 64 : i32
    %add3A_986 = arith.addi %add3A_984, %add3A_985 : i32
    %dma_wait3A_987 = arith.constant 0 : i32
    %dma_wait3A_988 = arith.constant 0 : i32
    %dma_wait3A_989 = arith.constant 0 : i32
    %dma_wait3A_990 = arith.constant 0 : i32
    %dma_wait3A_991 = tpu.memref_slice %arg4[%dma_wait3A_987, %dma_wait3A_989, %dma_wait3A_990] : memref<2x32x1024xf32, #tpu.memory_space<vmem>> -> memref<1x32x1024xf32, #tpu.memory_space<vmem>>
    %dma_wait3A_992 = tpu.memref_squeeze %dma_wait3A_991 : memref<1x32x1024xf32, #tpu.memory_space<vmem>> -> memref<32x1024xf32, #tpu.memory_space<vmem>>
    %dma_wait3A_993 = arith.constant 0 : i32
    %dma_wait3A_994 = tpu.memref_slice %arg3[%add3A_986, %dma_wait3A_993] : memref<32768x1024xf32, #tpu.memory_space<hbm>> -> memref<32x1024xf32, #tpu.memory_space<hbm>>
    %dma_wait3A_995 = tpu.memref_slice %arg7[%dma_wait3A_988] : memref<2x!tpu.dma_semaphore, #tpu.memory_space<semaphore_mem>> -> memref<1x!tpu.dma_semaphore, #tpu.memory_space<semaphore_mem>>
    %dma_wait3A_996 = tpu.memref_squeeze %dma_wait3A_995 : memref<1x!tpu.dma_semaphore, #tpu.memory_space<semaphore_mem>> -> memref<!tpu.dma_semaphore, #tpu.memory_space<semaphore_mem>>
    %dma_wait3A_997 = arith.constant 0 : i32
    %dma_wait3A_998 = tpu.memref_slice %arg3[%add3A_986, %dma_wait3A_997] : memref<32768x1024xf32, #tpu.memory_space<hbm>> -> memref<32x1024xf32, #tpu.memory_space<hbm>>
    %dma_wait3A_999 = arith.constant 0 : i32
    %dma_wait3A_1000 = arith.constant 0 : i32
    %dma_wait3A_1001 = tpu.memref_slice %arg4[%dma_wait3A_987, %dma_wait3A_999, %dma_wait3A_1000] : memref<2x32x1024xf32, #tpu.memory_space<vmem>> -> memref<1x32x1024xf32, #tpu.memory_space<vmem>>
    %dma_wait3A_1002 = tpu.memref_squeeze %dma_wait3A_1001 : memref<1x32x1024xf32, #tpu.memory_space<vmem>> -> memref<32x1024xf32, #tpu.memory_space<vmem>>
    tpu.wait_dma2 semaphore(%dma_wait3A_996 : memref<!tpu.dma_semaphore, #tpu.memory_space<semaphore_mem>>) src(%dma_wait3A_1002 : memref<32x1024xf32, #tpu.memory_space<vmem>>) dst(%dma_wait3A_998 : memref<32x1024xf32, #tpu.memory_space<hbm>>)
    %add3A_1003 = arith.constant 128 : i32
    %add3A_1004 = arith.addi %mul3A_2, %add3A_1003 : i32
    %dma_start3A_1005 = arith.constant 0 : i32
    %dma_start3A_1006 = arith.constant 0 : i32
    %dma_start3A_1007 = arith.constant 0 : i32
    %dma_start3A_1008 = arith.constant 0 : i32
    %dma_start3A_1009 = tpu.memref_slice %arg4[%dma_start3A_1005, %dma_start3A_1007, %dma_start3A_1008] : memref<2x32x1024xf32, #tpu.memory_space<vmem>> -> memref<1x32x1024xf32, #tpu.memory_space<vmem>>
    %dma_start3A_1010 = tpu.memref_squeeze %dma_start3A_1009 : memref<1x32x1024xf32, #tpu.memory_space<vmem>> -> memref<32x1024xf32, #tpu.memory_space<vmem>>
    %dma_start3A_1011 = arith.constant 0 : i32
    %dma_start3A_1012 = tpu.memref_slice %arg2[%add3A_1004, %dma_start3A_1011] : memref<8192x1024xf32, #tpu.memory_space<hbm>> -> memref<32x1024xf32, #tpu.memory_space<hbm>>
    %dma_start3A_1013 = tpu.memref_slice %arg6[%dma_start3A_1006] : memref<2x!tpu.dma_semaphore, #tpu.memory_space<semaphore_mem>> -> memref<1x!tpu.dma_semaphore, #tpu.memory_space<semaphore_mem>>
    %dma_start3A_1014 = tpu.memref_squeeze %dma_start3A_1013 : memref<1x!tpu.dma_semaphore, #tpu.memory_space<semaphore_mem>> -> memref<!tpu.dma_semaphore, #tpu.memory_space<semaphore_mem>>
    %dma_start3A_1015 = arith.constant 0 : i32
    %dma_start3A_1016 = arith.constant 0 : i32
    %dma_start3A_1017 = tpu.memref_slice %arg4[%dma_start3A_1005, %dma_start3A_1015, %dma_start3A_1016] : memref<2x32x1024xf32, #tpu.memory_space<vmem>> -> memref<1x32x1024xf32, #tpu.memory_space<vmem>>
    %dma_start3A_1018 = tpu.memref_squeeze %dma_start3A_1017 : memref<1x32x1024xf32, #tpu.memory_space<vmem>> -> memref<32x1024xf32, #tpu.memory_space<vmem>>
    %dma_start3A_1019 = arith.constant 0 : i32
    %dma_start3A_1020 = tpu.memref_slice %arg2[%add3A_1004, %dma_start3A_1019] : memref<8192x1024xf32, #tpu.memory_space<hbm>> -> memref<32x1024xf32, #tpu.memory_space<hbm>>
    tpu.enqueue_dma source(%dma_start3A_1020 : memref<32x1024xf32, #tpu.memory_space<hbm>>) target(%dma_start3A_1018 : memref<32x1024xf32, #tpu.memory_space<vmem>>) target_semaphore(%dma_start3A_1014 : memref<!tpu.dma_semaphore, #tpu.memory_space<semaphore_mem>>)
    %add3A_1021 = arith.constant 128 : i32
    %add3A_1022 = arith.addi %mul3A_2, %add3A_1021 : i32
    %dma_wait3A_1023 = arith.constant 0 : i32
    %dma_wait3A_1024 = arith.constant 0 : i32
    %dma_wait3A_1025 = arith.constant 0 : i32
    %dma_wait3A_1026 = arith.constant 0 : i32
    %dma_wait3A_1027 = tpu.memref_slice %arg4[%dma_wait3A_1023, %dma_wait3A_1025, %dma_wait3A_1026] : memref<2x32x1024xf32, #tpu.memory_space<vmem>> -> memref<1x32x1024xf32, #tpu.memory_space<vmem>>
    %dma_wait3A_1028 = tpu.memref_squeeze %dma_wait3A_1027 : memref<1x32x1024xf32, #tpu.memory_space<vmem>> -> memref<32x1024xf32, #tpu.memory_space<vmem>>
    %dma_wait3A_1029 = arith.constant 0 : i32
    %dma_wait3A_1030 = tpu.memref_slice %arg2[%add3A_1022, %dma_wait3A_1029] : memref<8192x1024xf32, #tpu.memory_space<hbm>> -> memref<32x1024xf32, #tpu.memory_space<hbm>>
    %dma_wait3A_1031 = tpu.memref_slice %arg6[%dma_wait3A_1024] : memref<2x!tpu.dma_semaphore, #tpu.memory_space<semaphore_mem>> -> memref<1x!tpu.dma_semaphore, #tpu.memory_space<semaphore_mem>>
    %dma_wait3A_1032 = tpu.memref_squeeze %dma_wait3A_1031 : memref<1x!tpu.dma_semaphore, #tpu.memory_space<semaphore_mem>> -> memref<!tpu.dma_semaphore, #tpu.memory_space<semaphore_mem>>
    %dma_wait3A_1033 = arith.constant 0 : i32
    %dma_wait3A_1034 = arith.constant 0 : i32
    %dma_wait3A_1035 = tpu.memref_slice %arg4[%dma_wait3A_1023, %dma_wait3A_1033, %dma_wait3A_1034] : memref<2x32x1024xf32, #tpu.memory_space<vmem>> -> memref<1x32x1024xf32, #tpu.memory_space<vmem>>
    %dma_wait3A_1036 = tpu.memref_squeeze %dma_wait3A_1035 : memref<1x32x1024xf32, #tpu.memory_space<vmem>> -> memref<32x1024xf32, #tpu.memory_space<vmem>>
    %dma_wait3A_1037 = arith.constant 0 : i32
    %dma_wait3A_1038 = tpu.memref_slice %arg2[%add3A_1022, %dma_wait3A_1037] : memref<8192x1024xf32, #tpu.memory_space<hbm>> -> memref<32x1024xf32, #tpu.memory_space<hbm>>
    tpu.wait_dma2 semaphore(%dma_wait3A_1032 : memref<!tpu.dma_semaphore, #tpu.memory_space<semaphore_mem>>) src(%dma_wait3A_1038 : memref<32x1024xf32, #tpu.memory_space<hbm>>) dst(%dma_wait3A_1036 : memref<32x1024xf32, #tpu.memory_space<vmem>>)
    %add3A_1039 = arith.constant 0 : i32
    %add3A_1040 = arith.addi %add3A_1039, %mul3A_2 : i32
    %add3A_1041 = arith.constant 128 : i32
    %add3A_1042 = arith.addi %add3A_1040, %add3A_1041 : i32
    %dma_start3A_1043 = arith.constant 0 : i32
    %dma_start3A_1044 = arith.constant 0 : i32
    %dma_start3A_1045 = arith.constant 0 : i32
    %dma_start3A_1046 = arith.constant 0 : i32
    %dma_start3A_1047 = tpu.memref_slice %arg4[%dma_start3A_1043, %dma_start3A_1045, %dma_start3A_1046] : memref<2x32x1024xf32, #tpu.memory_space<vmem>> -> memref<1x32x1024xf32, #tpu.memory_space<vmem>>
    %dma_start3A_1048 = tpu.memref_squeeze %dma_start3A_1047 : memref<1x32x1024xf32, #tpu.memory_space<vmem>> -> memref<32x1024xf32, #tpu.memory_space<vmem>>
    %dma_start3A_1049 = arith.constant 0 : i32
    %dma_start3A_1050 = tpu.memref_slice %arg3[%add3A_1042, %dma_start3A_1049] : memref<32768x1024xf32, #tpu.memory_space<hbm>> -> memref<32x1024xf32, #tpu.memory_space<hbm>>
    %dma_start3A_1051 = tpu.memref_slice %arg7[%dma_start3A_1044] : memref<2x!tpu.dma_semaphore, #tpu.memory_space<semaphore_mem>> -> memref<1x!tpu.dma_semaphore, #tpu.memory_space<semaphore_mem>>
    %dma_start3A_1052 = tpu.memref_squeeze %dma_start3A_1051 : memref<1x!tpu.dma_semaphore, #tpu.memory_space<semaphore_mem>> -> memref<!tpu.dma_semaphore, #tpu.memory_space<semaphore_mem>>
    %dma_start3A_1053 = arith.constant 0 : i32
    %dma_start3A_1054 = tpu.memref_slice %arg3[%add3A_1042, %dma_start3A_1053] : memref<32768x1024xf32, #tpu.memory_space<hbm>> -> memref<32x1024xf32, #tpu.memory_space<hbm>>
    %dma_start3A_1055 = arith.constant 0 : i32
    %dma_start3A_1056 = arith.constant 0 : i32
    %dma_start3A_1057 = tpu.memref_slice %arg4[%dma_start3A_1043, %dma_start3A_1055, %dma_start3A_1056] : memref<2x32x1024xf32, #tpu.memory_space<vmem>> -> memref<1x32x1024xf32, #tpu.memory_space<vmem>>
    %dma_start3A_1058 = tpu.memref_squeeze %dma_start3A_1057 : memref<1x32x1024xf32, #tpu.memory_space<vmem>> -> memref<32x1024xf32, #tpu.memory_space<vmem>>
    tpu.enqueue_dma source(%dma_start3A_1058 : memref<32x1024xf32, #tpu.memory_space<vmem>>) target(%dma_start3A_1054 : memref<32x1024xf32, #tpu.memory_space<hbm>>) target_semaphore(%dma_start3A_1052 : memref<!tpu.dma_semaphore, #tpu.memory_space<semaphore_mem>>)
    %add3A_1059 = arith.constant 8192 : i32
    %add3A_1060 = arith.addi %add3A_1059, %mul3A_2 : i32
    %add3A_1061 = arith.constant 128 : i32
    %add3A_1062 = arith.addi %add3A_1060, %add3A_1061 : i32
    %dma_start3A_1063 = arith.constant 0 : i32
    %dma_start3A_1064 = arith.constant 0 : i32
    %dma_start3A_1065 = arith.constant 0 : i32
    %dma_start3A_1066 = arith.constant 0 : i32
    %dma_start3A_1067 = tpu.memref_slice %arg4[%dma_start3A_1063, %dma_start3A_1065, %dma_start3A_1066] : memref<2x32x1024xf32, #tpu.memory_space<vmem>> -> memref<1x32x1024xf32, #tpu.memory_space<vmem>>
    %dma_start3A_1068 = tpu.memref_squeeze %dma_start3A_1067 : memref<1x32x1024xf32, #tpu.memory_space<vmem>> -> memref<32x1024xf32, #tpu.memory_space<vmem>>
    %dma_start3A_1069 = arith.constant 0 : i32
    %dma_start3A_1070 = tpu.memref_slice %arg3[%add3A_1062, %dma_start3A_1069] : memref<32768x1024xf32, #tpu.memory_space<hbm>> -> memref<32x1024xf32, #tpu.memory_space<hbm>>
    %dma_start3A_1071 = tpu.memref_slice %arg7[%dma_start3A_1064] : memref<2x!tpu.dma_semaphore, #tpu.memory_space<semaphore_mem>> -> memref<1x!tpu.dma_semaphore, #tpu.memory_space<semaphore_mem>>
    %dma_start3A_1072 = tpu.memref_squeeze %dma_start3A_1071 : memref<1x!tpu.dma_semaphore, #tpu.memory_space<semaphore_mem>> -> memref<!tpu.dma_semaphore, #tpu.memory_space<semaphore_mem>>
    %dma_start3A_1073 = arith.constant 0 : i32
    %dma_start3A_1074 = tpu.memref_slice %arg3[%add3A_1062, %dma_start3A_1073] : memref<32768x1024xf32, #tpu.memory_space<hbm>> -> memref<32x1024xf32, #tpu.memory_space<hbm>>
    %dma_start3A_1075 = arith.constant 0 : i32
    %dma_start3A_1076 = arith.constant 0 : i32
    %dma_start3A_1077 = tpu.memref_slice %arg4[%dma_start3A_1063, %dma_start3A_1075, %dma_start3A_1076] : memref<2x32x1024xf32, #tpu.memory_space<vmem>> -> memref<1x32x1024xf32, #tpu.memory_space<vmem>>
    %dma_start3A_1078 = tpu.memref_squeeze %dma_start3A_1077 : memref<1x32x1024xf32, #tpu.memory_space<vmem>> -> memref<32x1024xf32, #tpu.memory_space<vmem>>
    tpu.enqueue_dma source(%dma_start3A_1078 : memref<32x1024xf32, #tpu.memory_space<vmem>>) target(%dma_start3A_1074 : memref<32x1024xf32, #tpu.memory_space<hbm>>) target_semaphore(%dma_start3A_1072 : memref<!tpu.dma_semaphore, #tpu.memory_space<semaphore_mem>>)
    %add3A_1079 = arith.constant 16384 : i32
    %add3A_1080 = arith.addi %add3A_1079, %mul3A_2 : i32
    %add3A_1081 = arith.constant 128 : i32
    %add3A_1082 = arith.addi %add3A_1080, %add3A_1081 : i32
    %dma_start3A_1083 = arith.constant 0 : i32
    %dma_start3A_1084 = arith.constant 0 : i32
    %dma_start3A_1085 = arith.constant 0 : i32
    %dma_start3A_1086 = arith.constant 0 : i32
    %dma_start3A_1087 = tpu.memref_slice %arg4[%dma_start3A_1083, %dma_start3A_1085, %dma_start3A_1086] : memref<2x32x1024xf32, #tpu.memory_space<vmem>> -> memref<1x32x1024xf32, #tpu.memory_space<vmem>>
    %dma_start3A_1088 = tpu.memref_squeeze %dma_start3A_1087 : memref<1x32x1024xf32, #tpu.memory_space<vmem>> -> memref<32x1024xf32, #tpu.memory_space<vmem>>
    %dma_start3A_1089 = arith.constant 0 : i32
    %dma_start3A_1090 = tpu.memref_slice %arg3[%add3A_1082, %dma_start3A_1089] : memref<32768x1024xf32, #tpu.memory_space<hbm>> -> memref<32x1024xf32, #tpu.memory_space<hbm>>
    %dma_start3A_1091 = tpu.memref_slice %arg7[%dma_start3A_1084] : memref<2x!tpu.dma_semaphore, #tpu.memory_space<semaphore_mem>> -> memref<1x!tpu.dma_semaphore, #tpu.memory_space<semaphore_mem>>
    %dma_start3A_1092 = tpu.memref_squeeze %dma_start3A_1091 : memref<1x!tpu.dma_semaphore, #tpu.memory_space<semaphore_mem>> -> memref<!tpu.dma_semaphore, #tpu.memory_space<semaphore_mem>>
    %dma_start3A_1093 = arith.constant 0 : i32
    %dma_start3A_1094 = tpu.memref_slice %arg3[%add3A_1082, %dma_start3A_1093] : memref<32768x1024xf32, #tpu.memory_space<hbm>> -> memref<32x1024xf32, #tpu.memory_space<hbm>>
    %dma_start3A_1095 = arith.constant 0 : i32
    %dma_start3A_1096 = arith.constant 0 : i32
    %dma_start3A_1097 = tpu.memref_slice %arg4[%dma_start3A_1083, %dma_start3A_1095, %dma_start3A_1096] : memref<2x32x1024xf32, #tpu.memory_space<vmem>> -> memref<1x32x1024xf32, #tpu.memory_space<vmem>>
    %dma_start3A_1098 = tpu.memref_squeeze %dma_start3A_1097 : memref<1x32x1024xf32, #tpu.memory_space<vmem>> -> memref<32x1024xf32, #tpu.memory_space<vmem>>
    tpu.enqueue_dma source(%dma_start3A_1098 : memref<32x1024xf32, #tpu.memory_space<vmem>>) target(%dma_start3A_1094 : memref<32x1024xf32, #tpu.memory_space<hbm>>) target_semaphore(%dma_start3A_1092 : memref<!tpu.dma_semaphore, #tpu.memory_space<semaphore_mem>>)
    %add3A_1099 = arith.constant 24576 : i32
    %add3A_1100 = arith.addi %add3A_1099, %mul3A_2 : i32
    %add3A_1101 = arith.constant 128 : i32
    %add3A_1102 = arith.addi %add3A_1100, %add3A_1101 : i32
    %dma_start3A_1103 = arith.constant 0 : i32
    %dma_start3A_1104 = arith.constant 0 : i32
    %dma_start3A_1105 = arith.constant 0 : i32
    %dma_start3A_1106 = arith.constant 0 : i32
    %dma_start3A_1107 = tpu.memref_slice %arg4[%dma_start3A_1103, %dma_start3A_1105, %dma_start3A_1106] : memref<2x32x1024xf32, #tpu.memory_space<vmem>> -> memref<1x32x1024xf32, #tpu.memory_space<vmem>>
    %dma_start3A_1108 = tpu.memref_squeeze %dma_start3A_1107 : memref<1x32x1024xf32, #tpu.memory_space<vmem>> -> memref<32x1024xf32, #tpu.memory_space<vmem>>
    %dma_start3A_1109 = arith.constant 0 : i32
    %dma_start3A_1110 = tpu.memref_slice %arg3[%add3A_1102, %dma_start3A_1109] : memref<32768x1024xf32, #tpu.memory_space<hbm>> -> memref<32x1024xf32, #tpu.memory_space<hbm>>
    %dma_start3A_1111 = tpu.memref_slice %arg7[%dma_start3A_1104] : memref<2x!tpu.dma_semaphore, #tpu.memory_space<semaphore_mem>> -> memref<1x!tpu.dma_semaphore, #tpu.memory_space<semaphore_mem>>
    %dma_start3A_1112 = tpu.memref_squeeze %dma_start3A_1111 : memref<1x!tpu.dma_semaphore, #tpu.memory_space<semaphore_mem>> -> memref<!tpu.dma_semaphore, #tpu.memory_space<semaphore_mem>>
    %dma_start3A_1113 = arith.constant 0 : i32
    %dma_start3A_1114 = tpu.memref_slice %arg3[%add3A_1102, %dma_start3A_1113] : memref<32768x1024xf32, #tpu.memory_space<hbm>> -> memref<32x1024xf32, #tpu.memory_space<hbm>>
    %dma_start3A_1115 = arith.constant 0 : i32
    %dma_start3A_1116 = arith.constant 0 : i32
    %dma_start3A_1117 = tpu.memref_slice %arg4[%dma_start3A_1103, %dma_start3A_1115, %dma_start3A_1116] : memref<2x32x1024xf32, #tpu.memory_space<vmem>> -> memref<1x32x1024xf32, #tpu.memory_space<vmem>>
    %dma_start3A_1118 = tpu.memref_squeeze %dma_start3A_1117 : memref<1x32x1024xf32, #tpu.memory_space<vmem>> -> memref<32x1024xf32, #tpu.memory_space<vmem>>
    tpu.enqueue_dma source(%dma_start3A_1118 : memref<32x1024xf32, #tpu.memory_space<vmem>>) target(%dma_start3A_1114 : memref<32x1024xf32, #tpu.memory_space<hbm>>) target_semaphore(%dma_start3A_1112 : memref<!tpu.dma_semaphore, #tpu.memory_space<semaphore_mem>>)
    %add3A_1119 = arith.constant 0 : i32
    %add3A_1120 = arith.addi %add3A_1119, %mul3A_2 : i32
    %add3A_1121 = arith.constant 128 : i32
    %add3A_1122 = arith.addi %add3A_1120, %add3A_1121 : i32
    %dma_wait3A_1123 = arith.constant 0 : i32
    %dma_wait3A_1124 = arith.constant 0 : i32
    %dma_wait3A_1125 = arith.constant 0 : i32
    %dma_wait3A_1126 = arith.constant 0 : i32
    %dma_wait3A_1127 = tpu.memref_slice %arg4[%dma_wait3A_1123, %dma_wait3A_1125, %dma_wait3A_1126] : memref<2x32x1024xf32, #tpu.memory_space<vmem>> -> memref<1x32x1024xf32, #tpu.memory_space<vmem>>
    %dma_wait3A_1128 = tpu.memref_squeeze %dma_wait3A_1127 : memref<1x32x1024xf32, #tpu.memory_space<vmem>> -> memref<32x1024xf32, #tpu.memory_space<vmem>>
    %dma_wait3A_1129 = arith.constant 0 : i32
    %dma_wait3A_1130 = tpu.memref_slice %arg3[%add3A_1122, %dma_wait3A_1129] : memref<32768x1024xf32, #tpu.memory_space<hbm>> -> memref<32x1024xf32, #tpu.memory_space<hbm>>
    %dma_wait3A_1131 = tpu.memref_slice %arg7[%dma_wait3A_1124] : memref<2x!tpu.dma_semaphore, #tpu.memory_space<semaphore_mem>> -> memref<1x!tpu.dma_semaphore, #tpu.memory_space<semaphore_mem>>
    %dma_wait3A_1132 = tpu.memref_squeeze %dma_wait3A_1131 : memref<1x!tpu.dma_semaphore, #tpu.memory_space<semaphore_mem>> -> memref<!tpu.dma_semaphore, #tpu.memory_space<semaphore_mem>>
    %dma_wait3A_1133 = arith.constant 0 : i32
    %dma_wait3A_1134 = tpu.memref_slice %arg3[%add3A_1122, %dma_wait3A_1133] : memref<32768x1024xf32, #tpu.memory_space<hbm>> -> memref<32x1024xf32, #tpu.memory_space<hbm>>
    %dma_wait3A_1135 = arith.constant 0 : i32
    %dma_wait3A_1136 = arith.constant 0 : i32
    %dma_wait3A_1137 = tpu.memref_slice %arg4[%dma_wait3A_1123, %dma_wait3A_1135, %dma_wait3A_1136] : memref<2x32x1024xf32, #tpu.memory_space<vmem>> -> memref<1x32x1024xf32, #tpu.memory_space<vmem>>
    %dma_wait3A_1138 = tpu.memref_squeeze %dma_wait3A_1137 : memref<1x32x1024xf32, #tpu.memory_space<vmem>> -> memref<32x1024xf32, #tpu.memory_space<vmem>>
    tpu.wait_dma2 semaphore(%dma_wait3A_1132 : memref<!tpu.dma_semaphore, #tpu.memory_space<semaphore_mem>>) src(%dma_wait3A_1138 : memref<32x1024xf32, #tpu.memory_space<vmem>>) dst(%dma_wait3A_1134 : memref<32x1024xf32, #tpu.memory_space<hbm>>)
    %add3A_1139 = arith.constant 8192 : i32
    %add3A_1140 = arith.addi %add3A_1139, %mul3A_2 : i32
    %add3A_1141 = arith.constant 128 : i32
    %add3A_1142 = arith.addi %add3A_1140, %add3A_1141 : i32
    %dma_wait3A_1143 = arith.constant 0 : i32
    %dma_wait3A_1144 = arith.constant 0 : i32
    %dma_wait3A_1145 = arith.constant 0 : i32
    %dma_wait3A_1146 = arith.constant 0 : i32
    %dma_wait3A_1147 = tpu.memref_slice %arg4[%dma_wait3A_1143, %dma_wait3A_1145, %dma_wait3A_1146] : memref<2x32x1024xf32, #tpu.memory_space<vmem>> -> memref<1x32x1024xf32, #tpu.memory_space<vmem>>
    %dma_wait3A_1148 = tpu.memref_squeeze %dma_wait3A_1147 : memref<1x32x1024xf32, #tpu.memory_space<vmem>> -> memref<32x1024xf32, #tpu.memory_space<vmem>>
    %dma_wait3A_1149 = arith.constant 0 : i32
    %dma_wait3A_1150 = tpu.memref_slice %arg3[%add3A_1142, %dma_wait3A_1149] : memref<32768x1024xf32, #tpu.memory_space<hbm>> -> memref<32x1024xf32, #tpu.memory_space<hbm>>
    %dma_wait3A_1151 = tpu.memref_slice %arg7[%dma_wait3A_1144] : memref<2x!tpu.dma_semaphore, #tpu.memory_space<semaphore_mem>> -> memref<1x!tpu.dma_semaphore, #tpu.memory_space<semaphore_mem>>
    %dma_wait3A_1152 = tpu.memref_squeeze %dma_wait3A_1151 : memref<1x!tpu.dma_semaphore, #tpu.memory_space<semaphore_mem>> -> memref<!tpu.dma_semaphore, #tpu.memory_space<semaphore_mem>>
    %dma_wait3A_1153 = arith.constant 0 : i32
    %dma_wait3A_1154 = tpu.memref_slice %arg3[%add3A_1142, %dma_wait3A_1153] : memref<32768x1024xf32, #tpu.memory_space<hbm>> -> memref<32x1024xf32, #tpu.memory_space<hbm>>
    %dma_wait3A_1155 = arith.constant 0 : i32
    %dma_wait3A_1156 = arith.constant 0 : i32
    %dma_wait3A_1157 = tpu.memref_slice %arg4[%dma_wait3A_1143, %dma_wait3A_1155, %dma_wait3A_1156] : memref<2x32x1024xf32, #tpu.memory_space<vmem>> -> memref<1x32x1024xf32, #tpu.memory_space<vmem>>
    %dma_wait3A_1158 = tpu.memref_squeeze %dma_wait3A_1157 : memref<1x32x1024xf32, #tpu.memory_space<vmem>> -> memref<32x1024xf32, #tpu.memory_space<vmem>>
    tpu.wait_dma2 semaphore(%dma_wait3A_1152 : memref<!tpu.dma_semaphore, #tpu.memory_space<semaphore_mem>>) src(%dma_wait3A_1158 : memref<32x1024xf32, #tpu.memory_space<vmem>>) dst(%dma_wait3A_1154 : memref<32x1024xf32, #tpu.memory_space<hbm>>)
    %add3A_1159 = arith.constant 16384 : i32
    %add3A_1160 = arith.addi %add3A_1159, %mul3A_2 : i32
    %add3A_1161 = arith.constant 128 : i32
    %add3A_1162 = arith.addi %add3A_1160, %add3A_1161 : i32
    %dma_wait3A_1163 = arith.constant 0 : i32
    %dma_wait3A_1164 = arith.constant 0 : i32
    %dma_wait3A_1165 = arith.constant 0 : i32
    %dma_wait3A_1166 = arith.constant 0 : i32
    %dma_wait3A_1167 = tpu.memref_slice %arg4[%dma_wait3A_1163, %dma_wait3A_1165, %dma_wait3A_1166] : memref<2x32x1024xf32, #tpu.memory_space<vmem>> -> memref<1x32x1024xf32, #tpu.memory_space<vmem>>
    %dma_wait3A_1168 = tpu.memref_squeeze %dma_wait3A_1167 : memref<1x32x1024xf32, #tpu.memory_space<vmem>> -> memref<32x1024xf32, #tpu.memory_space<vmem>>
    %dma_wait3A_1169 = arith.constant 0 : i32
    %dma_wait3A_1170 = tpu.memref_slice %arg3[%add3A_1162, %dma_wait3A_1169] : memref<32768x1024xf32, #tpu.memory_space<hbm>> -> memref<32x1024xf32, #tpu.memory_space<hbm>>
    %dma_wait3A_1171 = tpu.memref_slice %arg7[%dma_wait3A_1164] : memref<2x!tpu.dma_semaphore, #tpu.memory_space<semaphore_mem>> -> memref<1x!tpu.dma_semaphore, #tpu.memory_space<semaphore_mem>>
    %dma_wait3A_1172 = tpu.memref_squeeze %dma_wait3A_1171 : memref<1x!tpu.dma_semaphore, #tpu.memory_space<semaphore_mem>> -> memref<!tpu.dma_semaphore, #tpu.memory_space<semaphore_mem>>
    %dma_wait3A_1173 = arith.constant 0 : i32
    %dma_wait3A_1174 = tpu.memref_slice %arg3[%add3A_1162, %dma_wait3A_1173] : memref<32768x1024xf32, #tpu.memory_space<hbm>> -> memref<32x1024xf32, #tpu.memory_space<hbm>>
    %dma_wait3A_1175 = arith.constant 0 : i32
    %dma_wait3A_1176 = arith.constant 0 : i32
    %dma_wait3A_1177 = tpu.memref_slice %arg4[%dma_wait3A_1163, %dma_wait3A_1175, %dma_wait3A_1176] : memref<2x32x1024xf32, #tpu.memory_space<vmem>> -> memref<1x32x1024xf32, #tpu.memory_space<vmem>>
    %dma_wait3A_1178 = tpu.memref_squeeze %dma_wait3A_1177 : memref<1x32x1024xf32, #tpu.memory_space<vmem>> -> memref<32x1024xf32, #tpu.memory_space<vmem>>
    tpu.wait_dma2 semaphore(%dma_wait3A_1172 : memref<!tpu.dma_semaphore, #tpu.memory_space<semaphore_mem>>) src(%dma_wait3A_1178 : memref<32x1024xf32, #tpu.memory_space<vmem>>) dst(%dma_wait3A_1174 : memref<32x1024xf32, #tpu.memory_space<hbm>>)
    %add3A_1179 = arith.constant 24576 : i32
    %add3A_1180 = arith.addi %add3A_1179, %mul3A_2 : i32
    %add3A_1181 = arith.constant 128 : i32
    %add3A_1182 = arith.addi %add3A_1180, %add3A_1181 : i32
    %dma_wait3A_1183 = arith.constant 0 : i32
    %dma_wait3A_1184 = arith.constant 0 : i32
    %dma_wait3A_1185 = arith.constant 0 : i32
    %dma_wait3A_1186 = arith.constant 0 : i32
    %dma_wait3A_1187 = tpu.memref_slice %arg4[%dma_wait3A_1183, %dma_wait3A_1185, %dma_wait3A_1186] : memref<2x32x1024xf32, #tpu.memory_space<vmem>> -> memref<1x32x1024xf32, #tpu.memory_space<vmem>>
    %dma_wait3A_1188 = tpu.memref_squeeze %dma_wait3A_1187 : memref<1x32x1024xf32, #tpu.memory_space<vmem>> -> memref<32x1024xf32, #tpu.memory_space<vmem>>
    %dma_wait3A_1189 = arith.constant 0 : i32
    %dma_wait3A_1190 = tpu.memref_slice %arg3[%add3A_1182, %dma_wait3A_1189] : memref<32768x1024xf32, #tpu.memory_space<hbm>> -> memref<32x1024xf32, #tpu.memory_space<hbm>>
    %dma_wait3A_1191 = tpu.memref_slice %arg7[%dma_wait3A_1184] : memref<2x!tpu.dma_semaphore, #tpu.memory_space<semaphore_mem>> -> memref<1x!tpu.dma_semaphore, #tpu.memory_space<semaphore_mem>>
    %dma_wait3A_1192 = tpu.memref_squeeze %dma_wait3A_1191 : memref<1x!tpu.dma_semaphore, #tpu.memory_space<semaphore_mem>> -> memref<!tpu.dma_semaphore, #tpu.memory_space<semaphore_mem>>
    %dma_wait3A_1193 = arith.constant 0 : i32
    %dma_wait3A_1194 = tpu.memref_slice %arg3[%add3A_1182, %dma_wait3A_1193] : memref<32768x1024xf32, #tpu.memory_space<hbm>> -> memref<32x1024xf32, #tpu.memory_space<hbm>>
    %dma_wait3A_1195 = arith.constant 0 : i32
    %dma_wait3A_1196 = arith.constant 0 : i32
    %dma_wait3A_1197 = tpu.memref_slice %arg4[%dma_wait3A_1183, %dma_wait3A_1195, %dma_wait3A_1196] : memref<2x32x1024xf32, #tpu.memory_space<vmem>> -> memref<1x32x1024xf32, #tpu.memory_space<vmem>>
    %dma_wait3A_1198 = tpu.memref_squeeze %dma_wait3A_1197 : memref<1x32x1024xf32, #tpu.memory_space<vmem>> -> memref<32x1024xf32, #tpu.memory_space<vmem>>
    tpu.wait_dma2 semaphore(%dma_wait3A_1192 : memref<!tpu.dma_semaphore, #tpu.memory_space<semaphore_mem>>) src(%dma_wait3A_1198 : memref<32x1024xf32, #tpu.memory_space<vmem>>) dst(%dma_wait3A_1194 : memref<32x1024xf32, #tpu.memory_space<hbm>>)
    %add3A_1199 = arith.constant 0 : i32
    %add3A_1200 = arith.addi %add3A_1199, %add3A_4 : i32
    %add3A_1201 = arith.constant 64 : i32
    %add3A_1202 = arith.addi %add3A_1200, %add3A_1201 : i32
    %dma_wait3A_1203 = arith.constant 0 : i32
    %dma_wait3A_1204 = arith.constant 0 : i32
    %dma_wait3A_1205 = tpu.memref_slice %arg9[%dma_wait3A_1204] : memref<2x!tpu.dma_semaphore, #tpu.memory_space<semaphore_mem>> -> memref<1x!tpu.dma_semaphore, #tpu.memory_space<semaphore_mem>>
    %dma_wait3A_1206 = tpu.memref_squeeze %dma_wait3A_1205 : memref<1x!tpu.dma_semaphore, #tpu.memory_space<semaphore_mem>> -> memref<!tpu.dma_semaphore, #tpu.memory_space<semaphore_mem>>
    %dma_wait3A_1207 = arith.constant 0 : i32
    %dma_wait3A_1208 = tpu.memref_slice %arg3[%add3A_1202, %dma_wait3A_1207] : memref<32768x1024xf32, #tpu.memory_space<hbm>> -> memref<32x1024xf32, #tpu.memory_space<hbm>>
    %dma_wait3A_1209 = arith.constant 0 : i32
    %dma_wait3A_1210 = arith.constant 0 : i32
    %dma_wait3A_1211 = tpu.memref_slice %arg5[%arg1, %dma_wait3A_1203, %dma_wait3A_1209, %dma_wait3A_1210] : memref<16x2x32x1024xf32, #tpu.memory_space<vmem_shared>> -> memref<1x1x32x1024xf32, #tpu.memory_space<vmem_shared>>
    %dma_wait3A_1212 = tpu.memref_squeeze %dma_wait3A_1211 : memref<1x1x32x1024xf32, #tpu.memory_space<vmem_shared>> -> memref<32x1024xf32, #tpu.memory_space<vmem_shared>>
    tpu.wait_dma2 semaphore(%dma_wait3A_1206 : memref<!tpu.dma_semaphore, #tpu.memory_space<semaphore_mem>>) src(%dma_wait3A_1212 : memref<32x1024xf32, #tpu.memory_space<vmem_shared>>) dst(%dma_wait3A_1208 : memref<32x1024xf32, #tpu.memory_space<hbm>>)
    %add3A_1213 = arith.constant 8192 : i32
    %add3A_1214 = arith.addi %add3A_1213, %add3A_4 : i32
    %add3A_1215 = arith.constant 64 : i32
    %add3A_1216 = arith.addi %add3A_1214, %add3A_1215 : i32
    %dma_wait3A_1217 = arith.constant 0 : i32
    %dma_wait3A_1218 = arith.constant 0 : i32
    %dma_wait3A_1219 = tpu.memref_slice %arg9[%dma_wait3A_1218] : memref<2x!tpu.dma_semaphore, #tpu.memory_space<semaphore_mem>> -> memref<1x!tpu.dma_semaphore, #tpu.memory_space<semaphore_mem>>
    %dma_wait3A_1220 = tpu.memref_squeeze %dma_wait3A_1219 : memref<1x!tpu.dma_semaphore, #tpu.memory_space<semaphore_mem>> -> memref<!tpu.dma_semaphore, #tpu.memory_space<semaphore_mem>>
    %dma_wait3A_1221 = arith.constant 0 : i32
    %dma_wait3A_1222 = tpu.memref_slice %arg3[%add3A_1216, %dma_wait3A_1221] : memref<32768x1024xf32, #tpu.memory_space<hbm>> -> memref<32x1024xf32, #tpu.memory_space<hbm>>
    %dma_wait3A_1223 = arith.constant 0 : i32
    %dma_wait3A_1224 = arith.constant 0 : i32
    %dma_wait3A_1225 = tpu.memref_slice %arg5[%arg1, %dma_wait3A_1217, %dma_wait3A_1223, %dma_wait3A_1224] : memref<16x2x32x1024xf32, #tpu.memory_space<vmem_shared>> -> memref<1x1x32x1024xf32, #tpu.memory_space<vmem_shared>>
    %dma_wait3A_1226 = tpu.memref_squeeze %dma_wait3A_1225 : memref<1x1x32x1024xf32, #tpu.memory_space<vmem_shared>> -> memref<32x1024xf32, #tpu.memory_space<vmem_shared>>
    tpu.wait_dma2 semaphore(%dma_wait3A_1220 : memref<!tpu.dma_semaphore, #tpu.memory_space<semaphore_mem>>) src(%dma_wait3A_1226 : memref<32x1024xf32, #tpu.memory_space<vmem_shared>>) dst(%dma_wait3A_1222 : memref<32x1024xf32, #tpu.memory_space<hbm>>)
    %add3A_1227 = arith.constant 16384 : i32
    %add3A_1228 = arith.addi %add3A_1227, %add3A_4 : i32
    %add3A_1229 = arith.constant 64 : i32
    %add3A_1230 = arith.addi %add3A_1228, %add3A_1229 : i32
    %dma_wait3A_1231 = arith.constant 0 : i32
    %dma_wait3A_1232 = arith.constant 0 : i32
    %dma_wait3A_1233 = tpu.memref_slice %arg9[%dma_wait3A_1232] : memref<2x!tpu.dma_semaphore, #tpu.memory_space<semaphore_mem>> -> memref<1x!tpu.dma_semaphore, #tpu.memory_space<semaphore_mem>>
    %dma_wait3A_1234 = tpu.memref_squeeze %dma_wait3A_1233 : memref<1x!tpu.dma_semaphore, #tpu.memory_space<semaphore_mem>> -> memref<!tpu.dma_semaphore, #tpu.memory_space<semaphore_mem>>
    %dma_wait3A_1235 = arith.constant 0 : i32
    %dma_wait3A_1236 = tpu.memref_slice %arg3[%add3A_1230, %dma_wait3A_1235] : memref<32768x1024xf32, #tpu.memory_space<hbm>> -> memref<32x1024xf32, #tpu.memory_space<hbm>>
    %dma_wait3A_1237 = arith.constant 0 : i32
    %dma_wait3A_1238 = arith.constant 0 : i32
    %dma_wait3A_1239 = tpu.memref_slice %arg5[%arg1, %dma_wait3A_1231, %dma_wait3A_1237, %dma_wait3A_1238] : memref<16x2x32x1024xf32, #tpu.memory_space<vmem_shared>> -> memref<1x1x32x1024xf32, #tpu.memory_space<vmem_shared>>
    %dma_wait3A_1240 = tpu.memref_squeeze %dma_wait3A_1239 : memref<1x1x32x1024xf32, #tpu.memory_space<vmem_shared>> -> memref<32x1024xf32, #tpu.memory_space<vmem_shared>>
    tpu.wait_dma2 semaphore(%dma_wait3A_1234 : memref<!tpu.dma_semaphore, #tpu.memory_space<semaphore_mem>>) src(%dma_wait3A_1240 : memref<32x1024xf32, #tpu.memory_space<vmem_shared>>) dst(%dma_wait3A_1236 : memref<32x1024xf32, #tpu.memory_space<hbm>>)
    %add3A_1241 = arith.constant 24576 : i32
    %add3A_1242 = arith.addi %add3A_1241, %add3A_4 : i32
    %add3A_1243 = arith.constant 64 : i32
    %add3A_1244 = arith.addi %add3A_1242, %add3A_1243 : i32
    %dma_wait3A_1245 = arith.constant 0 : i32
    %dma_wait3A_1246 = arith.constant 0 : i32
    %dma_wait3A_1247 = tpu.memref_slice %arg9[%dma_wait3A_1246] : memref<2x!tpu.dma_semaphore, #tpu.memory_space<semaphore_mem>> -> memref<1x!tpu.dma_semaphore, #tpu.memory_space<semaphore_mem>>
    %dma_wait3A_1248 = tpu.memref_squeeze %dma_wait3A_1247 : memref<1x!tpu.dma_semaphore, #tpu.memory_space<semaphore_mem>> -> memref<!tpu.dma_semaphore, #tpu.memory_space<semaphore_mem>>
    %dma_wait3A_1249 = arith.constant 0 : i32
    %dma_wait3A_1250 = tpu.memref_slice %arg3[%add3A_1244, %dma_wait3A_1249] : memref<32768x1024xf32, #tpu.memory_space<hbm>> -> memref<32x1024xf32, #tpu.memory_space<hbm>>
    %dma_wait3A_1251 = arith.constant 0 : i32
    %dma_wait3A_1252 = arith.constant 0 : i32
    %dma_wait3A_1253 = tpu.memref_slice %arg5[%arg1, %dma_wait3A_1245, %dma_wait3A_1251, %dma_wait3A_1252] : memref<16x2x32x1024xf32, #tpu.memory_space<vmem_shared>> -> memref<1x1x32x1024xf32, #tpu.memory_space<vmem_shared>>
    %dma_wait3A_1254 = tpu.memref_squeeze %dma_wait3A_1253 : memref<1x1x32x1024xf32, #tpu.memory_space<vmem_shared>> -> memref<32x1024xf32, #tpu.memory_space<vmem_shared>>
    tpu.wait_dma2 semaphore(%dma_wait3A_1248 : memref<!tpu.dma_semaphore, #tpu.memory_space<semaphore_mem>>) src(%dma_wait3A_1254 : memref<32x1024xf32, #tpu.memory_space<vmem_shared>>) dst(%dma_wait3A_1250 : memref<32x1024xf32, #tpu.memory_space<hbm>>)
    return
  }
}

</mosaic_0001>

<sc_bundles>
// kernel: kernel.3.cloned.1.call-start
scs
__scs_entry_jumppad:
0x0: {  	(pc) =	sbr.rel $0x88, $3  }
0x1: {  	(tag) =	ssettag $0x0;
	lr =	simm.s32 $0x1  }
0x2: {  	[smem:$0x3FA0] =	sst lr;
	_ =	strace $0xD0000000  }
0x3: {  	_ = 	snop  }
0x4: {  	_ = 	snop  }
0x5: {  	_ = 	snop  }
0x6: {  	_ = 	snop  }
0x7: {  	_ = 	snop  }
__scs_overlays_trampoline_lowered:
0x8: {  	[smem:$0x3FAF] =	sst s0  }
0x9: {  	[smem:$0x3FB0] =	sst s1  }
0xa: {  	[smem:$0x3FB1] =	sst s2  }
0xb: {  	[smem:$0x3FB2] =	sst s3  }
0xc: {  	[smem:$0x3FB3] =	sst s4  }
0xd: {  	[smem:$0x3FB4] =	sst s5  }
0xe: {  	[smem:$0x3FB5] =	sst s6  }
0xf: {  	[smem:$0x3FB6] =	sst s7  }
0x10: {  	[smem:$0x3FB7] =	sst s8  }
0x11: {  	[smem:$0x3FB8] =	sst s9;
	s0 =	simm.s32 @!p0 $0x0  }
0x12: {  	s1 =	sld [smem:$0x3F9E];
	s0 =	simm.s32 @p0 $0x1  }
0x13: {  	[smem:$0x3FB9] =	sst s0;
	s0 =	simm.s32 @!p1 $0x0  }
0x14: {  	s2 =	sld [smem:$0x3F9D];
	s0 =	simm.s32 @p1 $0x1  }
0x15: {  	[smem:$0x3FBA] =	sst s0;
	s0 =	simm.s32 @!p2 $0x0  }
0x16: {  	s3 =	sld [smem:$0x3FDB];
	s0 =	simm.s32 @p2 $0x1  }
0x17: {  	s4 =	simm.s32 $0x1BF5;
	[smem:$0x3FBC] =	sst s0  }
0x18: {  	s0 =	sld [smem:$0x3F9F];
	_ =	swait.ge [sflag:s4], $0x0  }
0x19: {  	s7 =	sld [smem:$0x3FA0]  }
0x1a: {  	s8 =	sadd.s32 $0xFFFFE003, lr  }
0x1b: {  	s9 =	sadd.s32 $0xFFFFFEF7, lr;
	s5 =	simm.s32 $0xFFFFFFFF;
	p2 =	slt.u32 s8, $0xFFFFF086  }
0x1c: {  	p1 =	slt.u32 s9, $0xF7A;
	s5 =	simm.s32 @!p2 $0x0  }
0x1d: {  	s5 =	simm.s32 @p1 $0x1;
	p0 =	seq.s32 s7, s2  }
0x1e: {  	s7 =	smul.u32 @!p0 $0xF7A, s2;
	p2 =	seq.s32 @!p0 s5, $0x0  }
0x1f: {  	s9 =	smul.u32 $0xF7A, s1;
	s8 =	simm.s32 @!p0 $0x1BF5;
	p2 =	por !p2, p0  }
0x20: {  	[sflag:s8] =	ssyncset.s32 @!p0 $0xFFFFF086;
	s6 =	sadd.s32 @!p0 s3, s7;
	s7 =	simm.s32 @!p0 $0x108  }
0x21: {  	s3 =	sadd.s32 s3, s9;
	s6 =	sadd.s32 @!p0 $0x88, s6;
	s7 =	simm.s32 @p2 $0x1082  }
0x22: {  	[simem:s7], [sflag:s8] =	dma.local @!p0 [hbm:s6], $0xF7A  }
0x23: {  	s9 =	sor.u32 $0xD0000000, s2;
	s6 =	simm.s32 $0x108;
	_ =	swait.ge @!p0 [sflag:s8], $0x0  }
0x24: {  	s3 =	sadd.s32 $0x88, s3;
	s6 =	simm.s32 @!p1 $0x1082;
	[sflag:s4] =	ssyncset.s32 $0xFFFFF086  }
0x25: {  	[simem:s6], [sflag:s4] =	dma.local [hbm:s3], $0xF7A  }
0x26: {  	[smem:$0x3FA0] =	sst s1;
	(tag) =	ssettag s2;
	_ =	strace s9  }
0x27: {  	s1 =	sld [smem:$0x3FB0]  }
0x28: {  	s2 =	sld [smem:$0x3FB1]  }
0x29: {  	s4 =	sld [smem:$0x3FB3]  }
0x2a: {  	p0 =	seq.s32 s5, $0x0;
	s5 =	sld [smem:$0x3FB4]  }
0x2b: {  	s6 =	sld [smem:$0x3FB5]  }
0x2c: {  	s7 =	sld [smem:$0x3FB6]  }
0x2d: {  	s3 =	simm.s32 $0x108;
	s8 =	sld [smem:$0x3FB7]  }
0x2e: {  	s3 =	simm.s32 @!p0 $0x1082;
	s9 =	sld [smem:$0x3FB8]  }
0x2f: {  	lr =	sadd.s32 s0, s3;
	s0 =	sld [smem:$0x3FAF]  }
0x30: {  	s3 =	sld [smem:$0x3FB2]  }
0x31: {  	[smem:$0x3FBB] =	sst s10  }
0x32: {  	s10 =	sld [smem:$0x3FB9];
	_ =	sdelay $0x3  }
0x33: {  	p0 =	seq.s32 s10, $0x1;
	s10 =	sld [smem:$0x3FBB];
	_ =	sdelay $0x3  }
0x34: {  	[smem:$0x3FBB] =	sst s10  }
0x35: {  	s10 =	sld [smem:$0x3FBA];
	_ =	sdelay $0x3  }
0x36: {  	p1 =	seq.s32 s10, $0x1;
	s10 =	sld [smem:$0x3FBB];
	_ =	sdelay $0x3  }
0x37: {  	[smem:$0x3FBB] =	sst s10  }
0x38: {  	s10 =	sld [smem:$0x3FBC]  }
0x39: {  	_ = 	snop;
	(pc) =	sbr.ind lr, $3  }
0x3a: {  	_ = 	snop  }
0x3b: {  	_ = 	snop  }
0x3c: {  	p2 =	seq.s32 s10, $0x1;
	s10 =	sld [smem:$0x3FBB]  }
0x3d: {  	_ =	shalt  }
0x3e: {  	_ =	shalt  }
0x3f: {  	_ =	shalt  }
0x40: {  	_ =	shalt  }
0x41: {  	_ =	shalt  }
0x42: {  	_ =	shalt  }
0x43: {  	_ =	shalt  }
0x44: {  	_ =	shalt  }
0x45: {  	_ =	shalt  }
0x46: {  	_ =	shalt  }
0x47: {  	_ =	shalt  }
0x48: {  	_ =	shalt  }
0x49: {  	_ =	shalt  }
0x4a: {  	_ =	shalt  }
0x4b: {  	_ =	shalt  }
0x4c: {  	_ =	shalt  }
0x4d: {  	_ =	shalt  }
0x4e: {  	_ =	shalt  }
0x4f: {  	_ =	shalt  }
0x50: {  	_ =	shalt  }
0x51: {  	_ =	shalt  }
0x52: {  	_ =	shalt  }
0x53: {  	_ =	shalt  }
0x54: {  	_ =	shalt  }
0x55: {  	_ =	shalt  }
0x56: {  	_ =	shalt  }
0x57: {  	_ =	shalt  }
0x58: {  	_ =	shalt  }
0x59: {  	_ =	shalt  }
0x5a: {  	_ =	shalt  }
0x5b: {  	_ =	shalt  }
0x5c: {  	_ =	shalt  }
0x5d: {  	_ =	shalt  }
0x5e: {  	_ =	shalt  }
0x5f: {  	_ =	shalt  }
0x60: {  	_ =	shalt  }
0x61: {  	_ =	shalt  }
0x62: {  	_ =	shalt  }
0x63: {  	_ =	shalt  }
0x64: {  	_ =	shalt  }
0x65: {  	_ =	shalt  }
0x66: {  	_ =	shalt  }
0x67: {  	_ =	shalt  }
0x68: {  	_ =	shalt  }
0x69: {  	_ =	shalt  }
0x6a: {  	_ =	shalt  }
0x6b: {  	_ =	shalt  }
0x6c: {  	_ =	shalt  }
0x6d: {  	_ =	shalt  }
0x6e: {  	_ =	shalt  }
0x6f: {  	_ =	shalt  }
0x70: {  	_ =	shalt  }
0x71: {  	_ =	shalt  }
0x72: {  	_ =	shalt  }
0x73: {  	_ =	shalt  }
0x74: {  	_ =	shalt  }
0x75: {  	_ =	shalt  }
0x76: {  	_ =	shalt  }
0x77: {  	_ =	shalt  }
0x78: {  	_ =	shalt  }
0x79: {  	_ =	shalt  }
0x7a: {  	_ =	shalt  }
0x7b: {  	_ =	shalt  }
0x7c: {  	_ =	shalt  }
0x7d: {  	_ =	shalt  }
0x7e: {  	_ =	shalt  }
0x7f: {  	_ =	shalt  }
0x80: {  	_ =	shalt  }
0x81: {  	_ =	shalt  }
0x82: {  	_ =	shalt  }
0x83: {  	_ =	shalt  }
0x84: {  	_ =	shalt  }
0x85: {  	_ =	shalt  }
0x86: {  	_ =	shalt  }
0x87: {  	_ =	shalt  }
.Lfunc_end0:
.L_simem_size_0:
called_computation_lowered:
.L_overlay_start_0:
0x88: {  	s2 =	sld [smem:$0x3FD9]  }
0x89: {  	s3 =	sld [smem:$0x3FFE];
	_ =	sdelay $0x1  }
0x8a: {  	s1 =	srdreg.scid  }
0x8b: {  	s0 =	sand.u32 $0x1, s1  }
0x8c: {  	s18 =	sshll.u32 s0, $0xA;
	s2 =	sadd.s32 s3, s2  }
0x8d: {  	s2 =	sadd.s32 s2, s18  }
0x8e: {  	[smem:$0x3FC7] =	sst s2  }
0x8f: {  	_ = 	snop  }
0x90: {  	s2 =	sld [smem:$0x3FC9]  }
0x91: {  	s19 =	sld [smem:$0x3FD0];
	(tm) =	ssettm $0x1  }
0x92: {  	s4 =	sld [smem:$0x3FFB];
	_ =	sdelay $0x3  }
0x93: {  	_ =	strace s4  }
0x94: {  	s4 =	sld [smem:$0x3FFC];
	_ =	sdelay $0x3  }
0x95: {  	_ =	strace s4  }
0x96: {  	s4 =	sld [smem:$0x3FFD];
	_ =	sdelay $0x3  }
0x97: {  	_ =	strace s4  }
0x98: {  	_ =	strace $0x8FFFFFFF  }
0x99: {  	s20 =	sld [smem:$0x3FDB];
	_ =	sdelay $0x1  }
0x9a: {  	s5 =	simm.s32 $_scs_section_size  }
0x9b: {  	s6 =	simm.s32 $_size__tile_overlayer_lowered;
	s7 =	simm.s32 $_tile_overlayer_lowered  }
0x9c: {  	s23 =	simm.s32 $0x1BFF;
	s22 =	sshll.u32 s7, $0x1;
	s4 =	sadd.s32 s5, s20  }
0x9d: {  	s8 =	simm.s32 $0x0;
	s21 =	sshll.u32 s6, $0x1;
	s6 =	sadd.s32 s22, s4  }
0x9e: {  	[timem:s8], [sflag:s23] =	dma.local [hbm:s6], s21  }
0x9f: {  	_ =	swait.ge [sflag:s23], s21  }
0xa0: {  	s5 =	ssub.s32 $0x0, s21;
	[sflag:s23] =	ssyncset.done $0x0  }
0xa1: {  	[sflag:s23] =	ssyncadd.s32 s5;
	_ =	sdelay $0x1  }
0xa2: {  	s24 =	simm.s32 $0x1B8B  }
0xa3: {  	_ =	swait.ge [sflag:s24], $0x1  }
0xa4: {  	[sflag:s24] =	ssyncset.done $0x0  }
0xa5: {  	s25 =	simm.s32 $0x1B8E;
	[sflag:s24] =	ssyncadd.s32 $0xFFFFFFFF  }
0xa6: {  	s26 =	simm.s32 $execute0_lowered;
	[smem:$0x3FD2] =	sst s25  }
0xa7: {  	s5 =	sshll.u32 s26, $0x1;
	_ =	strace $0x80000046;
	[dreg:$0x1] =	wrdreg $0xFFFFFFFF  }
0xa8: {  	s28 =	simm.s32 $_size_execute0_lowered;
	s4 =	sadd.s32 s4, s5;
	[dreg:$0x0] =	wrdreg $0x0  }
0xa9: {  	s5 =	sshll.u32 s28, $0x1;
	[dreg:$0x2] =	wrdreg s4  }
0xaa: {  	[dreg:$0x3] =	wrdreg s5  }
0xab: {  	[dreg:$0x4] =	wrdreg $0xC0  }
0xac: {  	_ =	task [dreg:s8], $0x5FFFF  }
0xad: {  	[dreg:$0x1] =	wrdreg $0xFFFFFFFF  }
0xae: {  	[dreg:$0x0] =	wrdreg $0x60  }
0xaf: {  	[dreg:$0x2] =	wrdreg s2  }
0xb0: {  	[dreg:$0x3] =	wrdreg s19  }
0xb1: {  	[dreg:$0x4] =	wrdreg $0x100000  }
0xb2: {  	[dreg:$0x5] =	wrdreg $0x9  }
0xb3: {  	_ =	task.clear_ibuf [dreg:s8], $0x6FFFF;
	_ =	strace $0x90000046  }
0xb4: {  	s29 =	simm.s32 $0x9;
	_ =	strace $0x80000048  }
0xb5: {  	_ =	swait.ge [sflag:s29], $0x1  }
0xb6: {  	[sflag:s29] =	ssyncadd.s32 $0xFFFFFFFF  }
0xb7: {  	_ =	strace $0x90000048  }
0xb8: {  	_ =	sfence  }
0xb9: {  	s30 =	sld [smem:$0x0];
	_ =	sdelay $0x2  }
0xba: {  	s31 =	sshll.u32 s1, $0xD;
	s1 =	sshrl.u32 s1, $0x2  }
0xbb: {  	s3 =	sand.u32 $0x4000, s31;
	s1 =	sadd.s32 s1, s30  }
0xbc: {  	s0 =	sor.u32 s3, s0;
	s1 =	sshll.u32 s1, $0x11  }
0xbd: {  	s0 =	sor.u32 s1, s0  }
0xbe: {  	s0 =	sadd.s32 $0x8F2B, s0  }
0xbf: {  	[sflag:s0] =	ssyncadd.remote.s32 $0x1  }
0xc0: {  	_ =	sfence.sel $0xFFFF  }
0xc1: {  	[dreg:$0x0] =	wrdreg $0xFFFFFFFF;
	(pc) =	sbr.abs _section_cstart, $3  }
0xc2: {  	[dreg:$0x1] =	wrdreg $0xFFFFFFFF  }
0xc3: {  	_ =	task.clear_ibuf [dreg:s8], $0x2FFFF;
	_ =	strace $0x9FFFFFFF  }
0xc4: {  	(tm) =	ssettm $0x7FFFFFFF  }
0xc5: {  	_ =	shalt  }
tec
execute0_lowered:
.L_overlay_start_1:
0x0: {  	(tag) =	ssettag $0x1  }
0x1: {  	s3 =	rddreg [dreg:$0x0]  }
0x2: {  	s4 =	rddreg [dreg:$0x1]  }
0x3: {  	s6 =	rddreg [dreg:$0x2];
	s0 =	srdreg.scid  }
0x4: {  	s28 =	rddreg [dreg:$0x3];
	s29 =	stileid.u32;
	s0 =	sand.u32 $0x1, s0  }
0x5: {  	s2 =	simm.s32 $0x0;
	s7 =	sshll.u32 s29, $0x10;
	s5 =	sshll.u32 s0, $0xF  }
0x6: {  	[smem:$0x7FF] =	sst s2;
	s5 =	sor.u32 s5, s7  }
0x7: {  	_ =	strace $0x80000047;
	s8 =	sadd.s32 s3, s5;
	s9 =	sor.u32 $0x5000, s5  }
0x8: {  	s23 =	sadd.s32 s4, s5;
	[dreg:$0x4] =	wrdreg s8;
	s14 =	sadd.s32 s3, s9  }
0x9: {  	s15 =	sadd.s32 $0x100000, s23;
	[dreg:$0x5] =	wrdreg s14  }
0xa: {  	s16 =	sadd.s32 $0x200000, s23;
	[dreg:$0x6] =	wrdreg s15  }
0xb: {  	s10 =	sor.u32 $0x1000, s5;
	s17 =	sadd.s32 $0x300000, s23;
	[dreg:$0x7] =	wrdreg s16  }
0xc: {  	s18 =	sadd.s32 s3, s10;
	[dreg:$0x8] =	wrdreg s17  }
0xd: {  	s19 =	sadd.s32 s4, s9;
	[dreg:$0x9] =	wrdreg s18  }
0xe: {  	s20 =	sadd.s32 $0x105000, s23;
	[dreg:$0xa] =	wrdreg s19  }
0xf: {  	s21 =	sadd.s32 $0x205000, s23;
	[dreg:$0xb] =	wrdreg s20  }
0x10: {  	s24 =	sor.u32 $0x6000, s5;
	s22 =	sadd.s32 $0x305000, s23;
	[dreg:$0xc] =	wrdreg s21  }
0x11: {  	s25 =	sadd.s32 s3, s24;
	[dreg:$0xd] =	wrdreg s22  }
0x12: {  	s26 =	sadd.s32 s4, s10;
	[dreg:$0xe] =	wrdreg s25  }
0x13: {  	s30 =	sadd.s32 $0x101000, s23;
	[dreg:$0xf] =	wrdreg s26  }
0x14: {  	p0 =	por $0x0, $0x0;
	s1 =	sadd.s32 $0x201000, s23;
	[dreg:$0x10] =	wrdreg s30  }
0x15: {  	s11 =	sor.u32 $0x2000, s5;
	s10 =	sadd.s32 $0x301000, s23;
	[dreg:$0x11] =	wrdreg s1  }
0x16: {  	s0 =	ssub.s32 $0x2, s0;
	s12 =	sadd.s32 s3, s11;
	[dreg:$0x12] =	wrdreg s10  }
0x17: {  	s13 =	sadd.s32 s4, s24;
	s24 =	sadd.s32 $0x302000, s23;
	[dreg:$0x13] =	wrdreg s12  }
0x18: {  	s8 =	sadd.s32 $0x304000, s23;
	[dreg:$0x14] =	wrdreg s13;
	s14 =	sadd.s32 $0x106000, s23  }
0x19: {  	s15 =	sadd.s32 $0x206000, s23;
	s16 =	sadd.s32 $0x306000, s23;
	s17 =	sor.u32 $0x7000, s5  }
0x1a: {  	s19 =	sadd.s32 s4, s11;
	s20 =	sadd.s32 $0x102000, s23;
	[dreg:$0x1c] =	wrdreg s24  }
0x1b: {  	s21 =	sshrl.u32 s0, $0x1;
	s22 =	sadd.s32 $0x202000, s23;
	[dreg:$0x15] =	wrdreg s14  }
0x1c: {  	s11 =	sor.u32 $0x3000, s5;
	s24 =	sshll.u32 s29, $0x6;
	[dreg:$0x16] =	wrdreg s15  }
0x1d: {  	s30 =	sadd.s32 $0x107000, s23;
	s12 =	sadd.s32 $0x103000, s23;
	[dreg:$0x17] =	wrdreg s16  }
0x1e: {  	s13 =	sadd.s32 $0x203000, s23;
	s5 =	sor.u32 $0x4000, s5;
	[dreg:$0x19] =	wrdreg s19  }
0x1f: {  	s10 =	simm.s32 $0x1;
	s18 =	sadd.s32 s3, s17;
	[dreg:$0x1a] =	wrdreg s20  }
0x20: {  	[dreg:$0x1b] =	wrdreg s22;
	s0 =	ssub.s32 s0, s21;
	s25 =	sadd.s32 s3, s11  }
0x21: {  	s20 =	sadd.s32 s7, s6;
	s26 =	sadd.s32 s4, s17;
	s21 =	sor.u32 $0x1C05, s24  }
0x22: {  	[dreg:$0x1f] =	wrdreg s30;
	s15 =	sadd.s32 $0x207000, s23;
	s16 =	sadd.s32 $0x307000, s23  }
0x23: {  	s11 =	sadd.s32 s4, s11;
	s14 =	sadd.s32 $0x303000, s23;
	s9 =	sadd.s32 s3, s5  }
0x24: {  	s5 =	sadd.s32 s4, s5;
	s6 =	sadd.s32 $0x104000, s23;
	s0 =	smax.u32 s0, $0x1  }
0x25: {  	s7 =	sadd.s32 $0x204000, s23;
	s17 =	simm.s32 $0x8000;
	p1 =	sne.s32 s0, $0x1  }
.Ltmp0:
0x26: {  	s19 =	simm.s32 $0x5;
	[dreg:$0x18] =	wrdreg s18;
	(pc) =	sbr.rel @!p1 .LBB2_5-.Ltmp0, $4  }
0x27: {  	s4 =	simm.s32 $0x3;
	s3 =	simm.s32 $0x7;
	[dreg:$0x1d] =	wrdreg s25  }
0x28: {  	s22 =	simm.s32 $0x4;
	[dreg:$0x1e] =	wrdreg s26;
	s18 =	sadd.s32 $0x8000, s20  }
0x29: {  	s26 =	simm.s32 $0x6;
	s20 =	sshrl.u32 s20, $0x3;
	s25 =	sshrl.u32 s18, $0x3  }
0x2a: {  	s18 =	simm.s32 $0x2;
	s31 =	sadd.s32 $0xFFFFFFFF, s0;
	s0 =	rddreg [dreg:$0x4]  }
0x2b: {  	s28 =	rddreg [dreg:$0x5]  }
0x2c: {  	[tilespmem:s2], [sflag:$0x1] =	stream.linear.gather [hbm4b:s0+s2], $0x8000, $0x38;
	v63 =	vld [tilespmem:$0x0]  }
0x2d: {  	[spmem:s20], [sflag:s21] =	dma.local [hbm:s28], $0x1000  }
0x2e: {  	_ =	swait.ge [sflag:s10], $0x8000  }
0x2f: {  	[sflag:s10] =	ssyncset.done $0x0  }
0x30: {  	[sflag:s10] =	ssyncadd.s32 $0xFFFF8000  }
0x31: {  	[hbm4b:s23+s2] =	stream.linear.scatter [tilespmem:s2], [sflag:$0x3], $0x8000, $0x38;
	v63 =	vld [tilespmem:$0x0]  }
0x32: {  	s1 =	rddreg [dreg:$0x6]  }
0x33: {  	[hbm4b:s1+s2] =	stream.linear.scatter [tilespmem:s2], [sflag:$0x3], $0x8000, $0x38;
	v63 =	vld [tilespmem:$0x0]  }
0x34: {  	s28 =	rddreg [dreg:$0x7]  }
0x35: {  	[hbm4b:s28+s2] =	stream.linear.scatter [tilespmem:s2], [sflag:$0x3], $0x8000, $0x38;
	v63 =	vld [tilespmem:$0x0]  }
0x36: {  	s1 =	rddreg [dreg:$0x8]  }
0x37: {  	[hbm4b:s1+s2] =	stream.linear.scatter [tilespmem:s2], [sflag:$0x3], $0x8000, $0x38;
	v63 =	vld [tilespmem:$0x0]  }
0x38: {  	s28 =	rddreg [dreg:$0x9]  }
0x39: {  	[tilespmem:s17], [sflag:$0x2] =	stream.linear.gather [hbm4b:s28+s2], $0x8000, $0x38;
	v63 =	vld [tilespmem:$0x0]  }
0x3a: {  	_ =	swait.ge [sflag:s19], $0x1000  }
0x3b: {  	[sflag:s19] =	ssyncset.done $0x0  }
0x3c: {  	s28 =	sor.u32 $0x1C07, s24;
	s1 =	rddreg [dreg:$0xa];
	[sflag:s19] =	ssyncadd.s32 $0xFFFFF000  }
0x3d: {  	[hbm:s1], [sflag:s28] =	dma.local [spmem:s20], $0x1000  }
0x3e: {  	s0 =	rddreg [dreg:$0xb]  }
0x3f: {  	[hbm:s0], [sflag:s28] =	dma.local [spmem:s20], $0x1000  }
0x40: {  	s0 =	rddreg [dreg:$0xc]  }
0x41: {  	[hbm:s0], [sflag:s28] =	dma.local [spmem:s20], $0x1000  }
0x42: {  	s0 =	rddreg [dreg:$0xd]  }
0x43: {  	[hbm:s0], [sflag:s28] =	dma.local [spmem:s20], $0x1000  }
0x44: {  	s29 =	sor.u32 $0x1C06, s24;
	s0 =	rddreg [dreg:$0xe]  }
0x45: {  	[spmem:s25], [sflag:s29] =	dma.local [hbm:s0], $0x1000  }
0x46: {  	_ =	swait.ge [sflag:s18], $0x8000  }
0x47: {  	[sflag:s18] =	ssyncset.done $0x0  }
0x48: {  	s1 =	rddreg [dreg:$0xf];
	[sflag:s18] =	ssyncadd.s32 $0xFFFF8000  }
0x49: {  	[hbm4b:s1+s2] =	stream.linear.scatter [tilespmem:s17], [sflag:$0x4], $0x8000, $0x38;
	v63 =	vld [tilespmem:$0x0]  }
0x4a: {  	s30 =	rddreg [dreg:$0x10]  }
0x4b: {  	[hbm4b:s30+s2] =	stream.linear.scatter [tilespmem:s17], [sflag:$0x4], $0x8000, $0x38;
	v63 =	vld [tilespmem:$0x0]  }
0x4c: {  	s1 =	rddreg [dreg:$0x11]  }
0x4d: {  	[hbm4b:s1+s2] =	stream.linear.scatter [tilespmem:s17], [sflag:$0x4], $0x8000, $0x38;
	v63 =	vld [tilespmem:$0x0]  }
0x4e: {  	s30 =	rddreg [dreg:$0x12]  }
0x4f: {  	[hbm4b:s30+s2] =	stream.linear.scatter [tilespmem:s17], [sflag:$0x4], $0x8000, $0x38;
	v63 =	vld [tilespmem:$0x0]  }
0x50: {  	_ =	swait.ge [sflag:s4], $0x8000  }
0x51: {  	[sflag:s4] =	ssyncset.done $0x0  }
0x52: {  	[sflag:s4] =	ssyncadd.s32 $0xFFFF8000  }
0x53: {  	_ =	swait.ge [sflag:s4], $0x8000  }
0x54: {  	[sflag:s4] =	ssyncset.done $0x0  }
0x55: {  	[sflag:s4] =	ssyncadd.s32 $0xFFFF8000  }
0x56: {  	_ =	swait.ge [sflag:s4], $0x8000  }
0x57: {  	[sflag:s4] =	ssyncset.done $0x0  }
0x58: {  	[sflag:s4] =	ssyncadd.s32 $0xFFFF8000  }
0x59: {  	_ =	swait.ge [sflag:s4], $0x8000  }
0x5a: {  	[sflag:s4] =	ssyncset.done $0x0  }
0x5b: {  	s1 =	rddreg [dreg:$0x13];
	[sflag:s4] =	ssyncadd.s32 $0xFFFF8000  }
0x5c: {  	[tilespmem:s2], [sflag:$0x1] =	stream.linear.gather [hbm4b:s1+s2], $0x8000, $0x38;
	v63 =	vld [tilespmem:$0x0]  }
0x5d: {  	_ =	swait.ge [sflag:s26], $0x1000  }
0x5e: {  	[sflag:s26] =	ssyncset.done $0x0  }
0x5f: {  	s30 =	sor.u32 $0x1C08, s24;
	s1 =	rddreg [dreg:$0x14];
	[sflag:s26] =	ssyncadd.s32 $0xFFFFF000  }
0x60: {  	[hbm:s1], [sflag:s30] =	dma.local [spmem:s25], $0x1000  }
0x61: {  	s0 =	rddreg [dreg:$0x15]  }
0x62: {  	[hbm:s0], [sflag:s30] =	dma.local [spmem:s25], $0x1000  }
0x63: {  	s0 =	rddreg [dreg:$0x16]  }
0x64: {  	[hbm:s0], [sflag:s30] =	dma.local [spmem:s25], $0x1000  }
0x65: {  	s0 =	rddreg [dreg:$0x17]  }
0x66: {  	[hbm:s0], [sflag:s30] =	dma.local [spmem:s25], $0x1000  }
0x67: {  	_ =	swait.ge [sflag:s3], $0x1000  }
0x68: {  	[sflag:s3] =	ssyncset.done $0x0  }
0x69: {  	[sflag:s3] =	ssyncadd.s32 $0xFFFFF000  }
0x6a: {  	_ =	swait.ge [sflag:s3], $0x1000  }
0x6b: {  	[sflag:s3] =	ssyncset.done $0x0  }
0x6c: {  	[sflag:s3] =	ssyncadd.s32 $0xFFFFF000  }
0x6d: {  	_ =	swait.ge [sflag:s3], $0x1000  }
0x6e: {  	[sflag:s3] =	ssyncset.done $0x0  }
0x6f: {  	[sflag:s3] =	ssyncadd.s32 $0xFFFFF000  }
0x70: {  	_ =	swait.ge [sflag:s3], $0x1000  }
0x71: {  	[sflag:s3] =	ssyncset.done $0x0  }
0x72: {  	s1 =	rddreg [dreg:$0x18];
	[sflag:s3] =	ssyncadd.s32 $0xFFFFF000  }
0x73: {  	[spmem:s20], [sflag:s21] =	dma.local [hbm:s1], $0x1000  }
0x74: {  	_ =	swait.ge [sflag:s10], $0x8000  }
0x75: {  	[sflag:s10] =	ssyncset.done $0x0  }
0x76: {  	s0 =	rddreg [dreg:$0x19];
	[sflag:s10] =	ssyncadd.s32 $0xFFFF8000  }
0x77: {  	[hbm4b:s0+s2] =	stream.linear.scatter [tilespmem:s2], [sflag:$0x3], $0x8000, $0x38;
	v63 =	vld [tilespmem:$0x0]  }
0x78: {  	s1 =	rddreg [dreg:$0x1a]  }
0x79: {  	[hbm4b:s1+s2] =	stream.linear.scatter [tilespmem:s2], [sflag:$0x3], $0x8000, $0x38;
	v63 =	vld [tilespmem:$0x0]  }
0x7a: {  	s0 =	rddreg [dreg:$0x1b]  }
0x7b: {  	[hbm4b:s0+s2] =	stream.linear.scatter [tilespmem:s2], [sflag:$0x3], $0x8000, $0x38;
	v63 =	vld [tilespmem:$0x0]  }
0x7c: {  	s1 =	rddreg [dreg:$0x1c]  }
0x7d: {  	[hbm4b:s1+s2] =	stream.linear.scatter [tilespmem:s2], [sflag:$0x3], $0x8000, $0x38;
	v63 =	vld [tilespmem:$0x0]  }
0x7e: {  	_ =	swait.ge [sflag:s22], $0x8000  }
0x7f: {  	[sflag:s22] =	ssyncset.done $0x0  }
0x80: {  	[sflag:s22] =	ssyncadd.s32 $0xFFFF8000  }
0x81: {  	_ =	swait.ge [sflag:s22], $0x8000  }
0x82: {  	[sflag:s22] =	ssyncset.done $0x0  }
0x83: {  	[sflag:s22] =	ssyncadd.s32 $0xFFFF8000  }
0x84: {  	_ =	swait.ge [sflag:s22], $0x8000  }
0x85: {  	[sflag:s22] =	ssyncset.done $0x0  }
0x86: {  	[sflag:s22] =	ssyncadd.s32 $0xFFFF8000  }
0x87: {  	_ =	swait.ge [sflag:s22], $0x8000  }
0x88: {  	[sflag:s22] =	ssyncset.done $0x0  }
0x89: {  	s1 =	rddreg [dreg:$0x1d];
	[sflag:s22] =	ssyncadd.s32 $0xFFFF8000  }
0x8a: {  	[tilespmem:s17], [sflag:$0x2] =	stream.linear.gather [hbm4b:s1+s2], $0x8000, $0x38;
	v63 =	vld [tilespmem:$0x0]  }
0x8b: {  	_ =	swait.ge [sflag:s19], $0x1000  }
0x8c: {  	[sflag:s19] =	ssyncset.done $0x0  }
0x8d: {  	s1 =	rddreg [dreg:$0x1e];
	[sflag:s19] =	ssyncadd.s32 $0xFFFFF000  }
0x8e: {  	[hbm:s1], [sflag:s28] =	dma.local [spmem:s20], $0x1000  }
0x8f: {  	s0 =	rddreg [dreg:$0x1f]  }
0x90: {  	[hbm:s0], [sflag:s28] =	dma.local [spmem:s20], $0x1000  }
0x91: {  	[hbm:s15], [sflag:s28] =	dma.local [spmem:s20], $0x1000  }
0x92: {  	[hbm:s16], [sflag:s28] =	dma.local [spmem:s20], $0x1000  }
0x93: {  	_ =	swait.ge [sflag:s18], $0x8000  }
0x94: {  	[sflag:s18] =	ssyncset.done $0x0  }
0x95: {  	[sflag:s18] =	ssyncadd.s32 $0xFFFF8000  }
0x96: {  	[hbm4b:s11+s2] =	stream.linear.scatter [tilespmem:s17], [sflag:$0x4], $0x8000, $0x38;
	v63 =	vld [tilespmem:$0x0]  }
0x97: {  	_ = 	snop  }
0x98: {  	[hbm4b:s12+s2] =	stream.linear.scatter [tilespmem:s17], [sflag:$0x4], $0x8000, $0x38;
	v63 =	vld [tilespmem:$0x0]  }
0x99: {  	_ = 	snop  }
0x9a: {  	[hbm4b:s13+s2] =	stream.linear.scatter [tilespmem:s17], [sflag:$0x4], $0x8000, $0x38;
	v63 =	vld [tilespmem:$0x0]  }
0x9b: {  	_ = 	snop  }
0x9c: {  	[hbm4b:s14+s2] =	stream.linear.scatter [tilespmem:s17], [sflag:$0x4], $0x8000, $0x38;
	v63 =	vld [tilespmem:$0x0]  }
0x9d: {  	_ =	swait.ge [sflag:s4], $0x8000  }
0x9e: {  	[sflag:s4] =	ssyncset.done $0x0  }
0x9f: {  	[sflag:s4] =	ssyncadd.s32 $0xFFFF8000  }
0xa0: {  	_ =	swait.ge [sflag:s4], $0x8000  }
0xa1: {  	[sflag:s4] =	ssyncset.done $0x0  }
0xa2: {  	[sflag:s4] =	ssyncadd.s32 $0xFFFF8000  }
0xa3: {  	_ =	swait.ge [sflag:s4], $0x8000  }
0xa4: {  	[sflag:s4] =	ssyncset.done $0x0  }
0xa5: {  	[sflag:s4] =	ssyncadd.s32 $0xFFFF8000  }
0xa6: {  	_ =	swait.ge [sflag:s4], $0x8000  }
0xa7: {  	[sflag:s4] =	ssyncset.done $0x0  }
0xa8: {  	[sflag:s4] =	ssyncadd.s32 $0xFFFF8000  }
0xa9: {  	[tilespmem:s2], [sflag:$0x1] =	stream.linear.gather [hbm4b:s9+s2], $0x8000, $0x38;
	v63 =	vld [tilespmem:$0x0]  }
0xaa: {  	_ =	swait.ge [sflag:s10], $0x8000  }
0xab: {  	[sflag:s10] =	ssyncset.done $0x0  }
0xac: {  	[sflag:s10] =	ssyncadd.s32 $0xFFFF8000  }
0xad: {  	[hbm4b:s5+s2] =	stream.linear.scatter [tilespmem:s2], [sflag:$0x3], $0x8000, $0x38;
	v63 =	vld [tilespmem:$0x0]  }
0xae: {  	_ = 	snop  }
0xaf: {  	[hbm4b:s6+s2] =	stream.linear.scatter [tilespmem:s2], [sflag:$0x3], $0x8000, $0x38;
	v63 =	vld [tilespmem:$0x0]  }
0xb0: {  	_ = 	snop  }
0xb1: {  	[hbm4b:s7+s2] =	stream.linear.scatter [tilespmem:s2], [sflag:$0x3], $0x8000, $0x38;
	v63 =	vld [tilespmem:$0x0]  }
0xb2: {  	_ = 	snop  }
0xb3: {  	[hbm4b:s8+s2] =	stream.linear.scatter [tilespmem:s2], [sflag:$0x3], $0x8000, $0x38;
	v63 =	vld [tilespmem:$0x0]  }
0xb4: {  	_ =	swait.ge [sflag:s4], $0x8000  }
0xb5: {  	[sflag:s4] =	ssyncset.done $0x0  }
0xb6: {  	[sflag:s4] =	ssyncadd.s32 $0xFFFF8000  }
0xb7: {  	_ =	swait.ge [sflag:s4], $0x8000  }
0xb8: {  	[sflag:s4] =	ssyncset.done $0x0  }
0xb9: {  	[sflag:s4] =	ssyncadd.s32 $0xFFFF8000  }
0xba: {  	_ =	swait.ge [sflag:s4], $0x8000  }
0xbb: {  	[sflag:s4] =	ssyncset.done $0x0  }
0xbc: {  	[sflag:s4] =	ssyncadd.s32 $0xFFFF8000  }
0xbd: {  	_ =	swait.ge [sflag:s4], $0x8000  }
0xbe: {  	[sflag:s4] =	ssyncset.done $0x0  }
0xbf: {  	[sflag:s4] =	ssyncadd.s32 $0xFFFF8000  }
0xc0: {  	_ =	swait.ge [sflag:s3], $0x1000  }
0xc1: {  	[sflag:s3] =	ssyncset.done $0x0  }
0xc2: {  	[sflag:s3] =	ssyncadd.s32 $0xFFFFF000  }
0xc3: {  	_ =	swait.ge [sflag:s3], $0x1000  }
0xc4: {  	[sflag:s3] =	ssyncset.done $0x0  }
0xc5: {  	p1 =	sne.s32 s31, $0x1;
	[sflag:s3] =	ssyncadd.s32 $0xFFFFF000  }
.Ltmp1:
0xc6: {  	_ =	swait.ge [sflag:s3], $0x1000;
	(pc) =	sbr.rel @!p1 .LBB2_2-.Ltmp1, $4  }
0xc7: {  	[sflag:s3] =	ssyncset.done $0x0  }
0xc8: {  	[sflag:s3] =	ssyncadd.s32 $0xFFFFF000  }
0xc9: {  	s31 =	sadd.s32 $0xFFFFFFFF, s31;
	_ =	swait.ge [sflag:s3], $0x1000  }
0xca: {  	p0 =	por $0x1, $0x1;
	s0 =	rddreg [dreg:$0x4];
	[sflag:s3] =	ssyncset.done $0x0  }
.LBB2_3:
0xcb: {  	s1 =	rddreg [dreg:$0x5];
	[sflag:s3] =	ssyncadd.s32 $0xFFFFF000  }
0xcc: {  	[tilespmem:s2], [sflag:$0x1] =	stream.linear.gather [hbm4b:s0+s2], $0x8000, $0x38;
	v63 =	vld [tilespmem:$0x0]  }
0xcd: {  	[spmem:s20], [sflag:s21] =	dma.local [hbm:s1], $0x1000  }
0xce: {  	_ =	swait.ge [sflag:s10], $0x8000  }
0xcf: {  	[sflag:s10] =	ssyncset.done $0x0  }
0xd0: {  	[sflag:s10] =	ssyncadd.s32 $0xFFFF8000  }
0xd1: {  	[hbm4b:s23+s2] =	stream.linear.scatter [tilespmem:s2], [sflag:$0x3], $0x8000, $0x38;
	v63 =	vld [tilespmem:$0x0]  }
0xd2: {  	s0 =	rddreg [dreg:$0x6]  }
0xd3: {  	[hbm4b:s0+s2] =	stream.linear.scatter [tilespmem:s2], [sflag:$0x3], $0x8000, $0x38;
	v63 =	vld [tilespmem:$0x0]  }
0xd4: {  	s1 =	rddreg [dreg:$0x7]  }
0xd5: {  	[hbm4b:s1+s2] =	stream.linear.scatter [tilespmem:s2], [sflag:$0x3], $0x8000, $0x38;
	v63 =	vld [tilespmem:$0x0]  }
0xd6: {  	s0 =	rddreg [dreg:$0x8]  }
0xd7: {  	[hbm4b:s0+s2] =	stream.linear.scatter [tilespmem:s2], [sflag:$0x3], $0x8000, $0x38;
	v63 =	vld [tilespmem:$0x0]  }
0xd8: {  	s1 =	rddreg [dreg:$0x9]  }
0xd9: {  	[tilespmem:s17], [sflag:$0x2] =	stream.linear.gather [hbm4b:s1+s2], $0x8000, $0x38;
	v63 =	vld [tilespmem:$0x0]  }
0xda: {  	_ =	swait.ge [sflag:s19], $0x1000  }
0xdb: {  	[sflag:s19] =	ssyncset.done $0x0  }
0xdc: {  	s1 =	rddreg [dreg:$0xa];
	[sflag:s19] =	ssyncadd.s32 $0xFFFFF000  }
0xdd: {  	[hbm:s1], [sflag:s28] =	dma.local [spmem:s20], $0x1000  }
0xde: {  	s0 =	rddreg [dreg:$0xb]  }
0xdf: {  	[hbm:s0], [sflag:s28] =	dma.local [spmem:s20], $0x1000  }
0xe0: {  	s0 =	rddreg [dreg:$0xc]  }
0xe1: {  	[hbm:s0], [sflag:s28] =	dma.local [spmem:s20], $0x1000  }
0xe2: {  	s0 =	rddreg [dreg:$0xd]  }
0xe3: {  	[hbm:s0], [sflag:s28] =	dma.local [spmem:s20], $0x1000  }
0xe4: {  	s0 =	rddreg [dreg:$0xe]  }
0xe5: {  	[spmem:s25], [sflag:s29] =	dma.local [hbm:s0], $0x1000  }
0xe6: {  	_ =	swait.ge [sflag:s18], $0x8000  }
0xe7: {  	[sflag:s18] =	ssyncset.done $0x0  }
0xe8: {  	s0 =	rddreg [dreg:$0xf];
	[sflag:s18] =	ssyncadd.s32 $0xFFFF8000  }
0xe9: {  	[hbm4b:s0+s2] =	stream.linear.scatter [tilespmem:s17], [sflag:$0x4], $0x8000, $0x38;
	v63 =	vld [tilespmem:$0x0]  }
0xea: {  	s1 =	rddreg [dreg:$0x10]  }
0xeb: {  	[hbm4b:s1+s2] =	stream.linear.scatter [tilespmem:s17], [sflag:$0x4], $0x8000, $0x38;
	v63 =	vld [tilespmem:$0x0]  }
0xec: {  	s0 =	rddreg [dreg:$0x11]  }
0xed: {  	[hbm4b:s0+s2] =	stream.linear.scatter [tilespmem:s17], [sflag:$0x4], $0x8000, $0x38;
	v63 =	vld [tilespmem:$0x0]  }
0xee: {  	s1 =	rddreg [dreg:$0x12]  }
0xef: {  	[hbm4b:s1+s2] =	stream.linear.scatter [tilespmem:s17], [sflag:$0x4], $0x8000, $0x38;
	v63 =	vld [tilespmem:$0x0]  }
0xf0: {  	_ =	swait.ge [sflag:s4], $0x8000  }
0xf1: {  	[sflag:s4] =	ssyncset.done $0x0  }
0xf2: {  	[sflag:s4] =	ssyncadd.s32 $0xFFFF8000  }
0xf3: {  	_ =	swait.ge [sflag:s4], $0x8000  }
0xf4: {  	[sflag:s4] =	ssyncset.done $0x0  }
0xf5: {  	[sflag:s4] =	ssyncadd.s32 $0xFFFF8000  }
0xf6: {  	_ =	swait.ge [sflag:s4], $0x8000  }
0xf7: {  	[sflag:s4] =	ssyncset.done $0x0  }
0xf8: {  	[sflag:s4] =	ssyncadd.s32 $0xFFFF8000  }
0xf9: {  	_ =	swait.ge [sflag:s4], $0x8000  }
0xfa: {  	[sflag:s4] =	ssyncset.done $0x0  }
0xfb: {  	s1 =	rddreg [dreg:$0x13];
	[sflag:s4] =	ssyncadd.s32 $0xFFFF8000  }
0xfc: {  	[tilespmem:s2], [sflag:$0x1] =	stream.linear.gather [hbm4b:s1+s2], $0x8000, $0x38;
	v63 =	vld [tilespmem:$0x0]  }
0xfd: {  	_ =	swait.ge [sflag:s26], $0x1000  }
0xfe: {  	[sflag:s26] =	ssyncset.done $0x0  }
0xff: {  	s1 =	rddreg [dreg:$0x14];
	[sflag:s26] =	ssyncadd.s32 $0xFFFFF000  }
0x100: {  	[hbm:s1], [sflag:s30] =	dma.local [spmem:s25], $0x1000  }
0x101: {  	s0 =	rddreg [dreg:$0x15]  }
0x102: {  	[hbm:s0], [sflag:s30] =	dma.local [spmem:s25], $0x1000  }
0x103: {  	s0 =	rddreg [dreg:$0x16]  }
0x104: {  	[hbm:s0], [sflag:s30] =	dma.local [spmem:s25], $0x1000  }
0x105: {  	s0 =	rddreg [dreg:$0x17]  }
0x106: {  	[hbm:s0], [sflag:s30] =	dma.local [spmem:s25], $0x1000  }
0x107: {  	_ =	swait.ge [sflag:s3], $0x1000  }
0x108: {  	[sflag:s3] =	ssyncset.done $0x0  }
0x109: {  	[sflag:s3] =	ssyncadd.s32 $0xFFFFF000  }
0x10a: {  	_ =	swait.ge [sflag:s3], $0x1000  }
0x10b: {  	[sflag:s3] =	ssyncset.done $0x0  }
0x10c: {  	[sflag:s3] =	ssyncadd.s32 $0xFFFFF000  }
0x10d: {  	_ =	swait.ge [sflag:s3], $0x1000  }
0x10e: {  	[sflag:s3] =	ssyncset.done $0x0  }
0x10f: {  	[sflag:s3] =	ssyncadd.s32 $0xFFFFF000  }
0x110: {  	_ =	swait.ge [sflag:s3], $0x1000  }
0x111: {  	[sflag:s3] =	ssyncset.done $0x0  }
0x112: {  	s1 =	rddreg [dreg:$0x18];
	[sflag:s3] =	ssyncadd.s32 $0xFFFFF000  }
0x113: {  	[spmem:s20], [sflag:s21] =	dma.local [hbm:s1], $0x1000  }
0x114: {  	_ =	swait.ge [sflag:s10], $0x8000  }
0x115: {  	[sflag:s10] =	ssyncset.done $0x0  }
0x116: {  	s0 =	rddreg [dreg:$0x19];
	[sflag:s10] =	ssyncadd.s32 $0xFFFF8000  }
0x117: {  	[hbm4b:s0+s2] =	stream.linear.scatter [tilespmem:s2], [sflag:$0x3], $0x8000, $0x38;
	v63 =	vld [tilespmem:$0x0]  }
0x118: {  	s1 =	rddreg [dreg:$0x1a]  }
0x119: {  	[hbm4b:s1+s2] =	stream.linear.scatter [tilespmem:s2], [sflag:$0x3], $0x8000, $0x38;
	v63 =	vld [tilespmem:$0x0]  }
0x11a: {  	s0 =	rddreg [dreg:$0x1b]  }
0x11b: {  	[hbm4b:s0+s2] =	stream.linear.scatter [tilespmem:s2], [sflag:$0x3], $0x8000, $0x38;
	v63 =	vld [tilespmem:$0x0]  }
0x11c: {  	s1 =	rddreg [dreg:$0x1c]  }
0x11d: {  	[hbm4b:s1+s2] =	stream.linear.scatter [tilespmem:s2], [sflag:$0x3], $0x8000, $0x38;
	v63 =	vld [tilespmem:$0x0]  }
0x11e: {  	_ =	swait.ge [sflag:s22], $0x8000  }
0x11f: {  	[sflag:s22] =	ssyncset.done $0x0  }
0x120: {  	[sflag:s22] =	ssyncadd.s32 $0xFFFF8000  }
0x121: {  	_ =	swait.ge [sflag:s22], $0x8000  }
0x122: {  	[sflag:s22] =	ssyncset.done $0x0  }
0x123: {  	[sflag:s22] =	ssyncadd.s32 $0xFFFF8000  }
0x124: {  	_ =	swait.ge [sflag:s22], $0x8000  }
0x125: {  	[sflag:s22] =	ssyncset.done $0x0  }
0x126: {  	[sflag:s22] =	ssyncadd.s32 $0xFFFF8000  }
0x127: {  	_ =	swait.ge [sflag:s22], $0x8000  }
0x128: {  	[sflag:s22] =	ssyncset.done $0x0  }
0x129: {  	s1 =	rddreg [dreg:$0x1d];
	[sflag:s22] =	ssyncadd.s32 $0xFFFF8000  }
0x12a: {  	[tilespmem:s17], [sflag:$0x2] =	stream.linear.gather [hbm4b:s1+s2], $0x8000, $0x38;
	v63 =	vld [tilespmem:$0x0]  }
0x12b: {  	_ =	swait.ge [sflag:s19], $0x1000  }
0x12c: {  	[sflag:s19] =	ssyncset.done $0x0  }
0x12d: {  	s1 =	rddreg [dreg:$0x1e];
	[sflag:s19] =	ssyncadd.s32 $0xFFFFF000  }
0x12e: {  	[hbm:s1], [sflag:s28] =	dma.local [spmem:s20], $0x1000  }
0x12f: {  	s0 =	rddreg [dreg:$0x1f]  }
0x130: {  	[hbm:s0], [sflag:s28] =	dma.local [spmem:s20], $0x1000  }
0x131: {  	[hbm:s15], [sflag:s28] =	dma.local [spmem:s20], $0x1000  }
0x132: {  	[hbm:s16], [sflag:s28] =	dma.local [spmem:s20], $0x1000  }
0x133: {  	_ =	swait.ge [sflag:s18], $0x8000  }
0x134: {  	[sflag:s18] =	ssyncset.done $0x0  }
0x135: {  	[sflag:s18] =	ssyncadd.s32 $0xFFFF8000  }
0x136: {  	[hbm4b:s11+s2] =	stream.linear.scatter [tilespmem:s17], [sflag:$0x4], $0x8000, $0x38;
	v63 =	vld [tilespmem:$0x0]  }
0x137: {  	_ = 	snop  }
0x138: {  	[hbm4b:s12+s2] =	stream.linear.scatter [tilespmem:s17], [sflag:$0x4], $0x8000, $0x38;
	v63 =	vld [tilespmem:$0x0]  }
0x139: {  	_ = 	snop  }
0x13a: {  	[hbm4b:s13+s2] =	stream.linear.scatter [tilespmem:s17], [sflag:$0x4], $0x8000, $0x38;
	v63 =	vld [tilespmem:$0x0]  }
0x13b: {  	_ = 	snop  }
0x13c: {  	[hbm4b:s14+s2] =	stream.linear.scatter [tilespmem:s17], [sflag:$0x4], $0x8000, $0x38;
	v63 =	vld [tilespmem:$0x0]  }
0x13d: {  	_ =	swait.ge [sflag:s4], $0x8000  }
0x13e: {  	[sflag:s4] =	ssyncset.done $0x0  }
0x13f: {  	[sflag:s4] =	ssyncadd.s32 $0xFFFF8000  }
0x140: {  	_ =	swait.ge [sflag:s4], $0x8000  }
0x141: {  	[sflag:s4] =	ssyncset.done $0x0  }
0x142: {  	[sflag:s4] =	ssyncadd.s32 $0xFFFF8000  }
0x143: {  	_ =	swait.ge [sflag:s4], $0x8000  }
0x144: {  	[sflag:s4] =	ssyncset.done $0x0  }
0x145: {  	[sflag:s4] =	ssyncadd.s32 $0xFFFF8000  }
0x146: {  	_ =	swait.ge [sflag:s4], $0x8000  }
0x147: {  	[sflag:s4] =	ssyncset.done $0x0  }
0x148: {  	[sflag:s4] =	ssyncadd.s32 $0xFFFF8000  }
0x149: {  	[tilespmem:s2], [sflag:$0x1] =	stream.linear.gather [hbm4b:s9+s2], $0x8000, $0x38;
	v63 =	vld [tilespmem:$0x0]  }
0x14a: {  	_ =	swait.ge [sflag:s10], $0x8000  }
0x14b: {  	[sflag:s10] =	ssyncset.done $0x0  }
0x14c: {  	[sflag:s10] =	ssyncadd.s32 $0xFFFF8000  }
0x14d: {  	[hbm4b:s5+s2] =	stream.linear.scatter [tilespmem:s2], [sflag:$0x3], $0x8000, $0x38;
	v63 =	vld [tilespmem:$0x0]  }
0x14e: {  	_ = 	snop  }
0x14f: {  	[hbm4b:s6+s2] =	stream.linear.scatter [tilespmem:s2], [sflag:$0x3], $0x8000, $0x38;
	v63 =	vld [tilespmem:$0x0]  }
0x150: {  	_ = 	snop  }
0x151: {  	[hbm4b:s7+s2] =	stream.linear.scatter [tilespmem:s2], [sflag:$0x3], $0x8000, $0x38;
	v63 =	vld [tilespmem:$0x0]  }
0x152: {  	_ = 	snop  }
0x153: {  	[hbm4b:s8+s2] =	stream.linear.scatter [tilespmem:s2], [sflag:$0x3], $0x8000, $0x38;
	v63 =	vld [tilespmem:$0x0]  }
0x154: {  	_ =	swait.ge [sflag:s4], $0x8000  }
0x155: {  	[sflag:s4] =	ssyncset.done $0x0  }
0x156: {  	[sflag:s4] =	ssyncadd.s32 $0xFFFF8000  }
0x157: {  	_ =	swait.ge [sflag:s4], $0x8000  }
0x158: {  	[sflag:s4] =	ssyncset.done $0x0  }
0x159: {  	[sflag:s4] =	ssyncadd.s32 $0xFFFF8000  }
0x15a: {  	_ =	swait.ge [sflag:s4], $0x8000  }
0x15b: {  	[sflag:s4] =	ssyncset.done $0x0  }
0x15c: {  	[sflag:s4] =	ssyncadd.s32 $0xFFFF8000  }
0x15d: {  	_ =	swait.ge [sflag:s4], $0x8000  }
0x15e: {  	[sflag:s4] =	ssyncset.done $0x0  }
0x15f: {  	[sflag:s4] =	ssyncadd.s32 $0xFFFF8000  }
0x160: {  	_ =	swait.ge [sflag:s3], $0x1000  }
0x161: {  	[sflag:s3] =	ssyncset.done $0x0  }
0x162: {  	[sflag:s3] =	ssyncadd.s32 $0xFFFFF000  }
0x163: {  	_ =	swait.ge [sflag:s3], $0x1000  }
0x164: {  	[sflag:s3] =	ssyncset.done $0x0  }
0x165: {  	p1 =	sne.s32 s31, $0x1;
	[sflag:s3] =	ssyncadd.s32 $0xFFFFF000  }
.Ltmp2:
0x166: {  	_ =	swait.ge [sflag:s3], $0x1000;
	(pc) =	sbr.rel @p1 .LBB2_3-.Ltmp2, $4  }
0x167: {  	[sflag:s3] =	ssyncset.done $0x0  }
0x168: {  	[sflag:s3] =	ssyncadd.s32 $0xFFFFF000  }
0x169: {  	_ =	swait.ge [sflag:s3], $0x1000  }
0x16a: {  	s31 =	sadd.s32 $0xFFFFFFFF, s31;
	s0 =	rddreg [dreg:$0x4];
	[sflag:s3] =	ssyncset.done $0x0  }
0x16b: {  	s28 =	rddreg [dreg:$0x3];
	s29 =	stileid.u32  }
.LBB2_5:
0x16c: {  	s1 =	rddreg [dreg:$0x5];
	[sflag:s3] =	ssyncadd.s32 @p0 $0xFFFFF000  }
0x16d: {  	[tilespmem:s2], [sflag:$0x1] =	stream.linear.gather [hbm4b:s0+s2], $0x8000, $0x38;
	v63 =	vld [tilespmem:$0x0]  }
0x16e: {  	[spmem:s20], [sflag:s21] =	dma.local [hbm:s1], $0x1000  }
0x16f: {  	_ =	swait.ge [sflag:s10], $0x8000  }
0x170: {  	[sflag:s10] =	ssyncset.done $0x0  }
0x171: {  	[sflag:s10] =	ssyncadd.s32 $0xFFFF8000  }
0x172: {  	[hbm4b:s23+s2] =	stream.linear.scatter [tilespmem:s2], [sflag:$0x3], $0x8000, $0x38;
	v63 =	vld [tilespmem:$0x0]  }
0x173: {  	s1 =	rddreg [dreg:$0x6]  }
0x174: {  	[hbm4b:s1+s2] =	stream.linear.scatter [tilespmem:s2], [sflag:$0x3], $0x8000, $0x38;
	v63 =	vld [tilespmem:$0x0]  }
0x175: {  	s30 =	rddreg [dreg:$0x7]  }
0x176: {  	[hbm4b:s30+s2] =	stream.linear.scatter [tilespmem:s2], [sflag:$0x3], $0x8000, $0x38;
	v63 =	vld [tilespmem:$0x0]  }
0x177: {  	s31 =	rddreg [dreg:$0x8]  }
0x178: {  	[hbm4b:s31+s2] =	stream.linear.scatter [tilespmem:s2], [sflag:$0x3], $0x8000, $0x38;
	v63 =	vld [tilespmem:$0x0]  }
0x179: {  	s23 =	rddreg [dreg:$0x9]  }
0x17a: {  	[tilespmem:s17], [sflag:$0x2] =	stream.linear.gather [hbm4b:s23+s2], $0x8000, $0x38;
	v63 =	vld [tilespmem:$0x0]  }
0x17b: {  	_ =	swait.ge [sflag:s19], $0x1000  }
0x17c: {  	[sflag:s19] =	ssyncset.done $0x0  }
0x17d: {  	s23 =	sor.u32 $0x1C07, s24;
	s30 =	rddreg [dreg:$0xa];
	[sflag:s19] =	ssyncadd.s32 $0xFFFFF000  }
0x17e: {  	[hbm:s30], [sflag:s23] =	dma.local [spmem:s20], $0x1000  }
0x17f: {  	s0 =	rddreg [dreg:$0xb]  }
0x180: {  	[hbm:s0], [sflag:s23] =	dma.local [spmem:s20], $0x1000  }
0x181: {  	s0 =	rddreg [dreg:$0xc]  }
0x182: {  	[hbm:s0], [sflag:s23] =	dma.local [spmem:s20], $0x1000  }
0x183: {  	s0 =	rddreg [dreg:$0xd]  }
0x184: {  	[hbm:s0], [sflag:s23] =	dma.local [spmem:s20], $0x1000  }
0x185: {  	s31 =	sor.u32 $0x1C06, s24;
	s0 =	rddreg [dreg:$0xe]  }
0x186: {  	[spmem:s25], [sflag:s31] =	dma.local [hbm:s0], $0x1000  }
0x187: {  	_ =	swait.ge [sflag:s18], $0x8000  }
0x188: {  	[sflag:s18] =	ssyncset.done $0x0  }
0x189: {  	s30 =	rddreg [dreg:$0xf];
	[sflag:s18] =	ssyncadd.s32 $0xFFFF8000  }
0x18a: {  	[hbm4b:s30+s2] =	stream.linear.scatter [tilespmem:s17], [sflag:$0x4], $0x8000, $0x38;
	v63 =	vld [tilespmem:$0x0]  }
0x18b: {  	s31 =	rddreg [dreg:$0x10]  }
0x18c: {  	[hbm4b:s31+s2] =	stream.linear.scatter [tilespmem:s17], [sflag:$0x4], $0x8000, $0x38;
	v63 =	vld [tilespmem:$0x0]  }
0x18d: {  	s30 =	rddreg [dreg:$0x11]  }
0x18e: {  	[hbm4b:s30+s2] =	stream.linear.scatter [tilespmem:s17], [sflag:$0x4], $0x8000, $0x38;
	v63 =	vld [tilespmem:$0x0]  }
0x18f: {  	s31 =	rddreg [dreg:$0x12]  }
0x190: {  	[hbm4b:s31+s2] =	stream.linear.scatter [tilespmem:s17], [sflag:$0x4], $0x8000, $0x38;
	v63 =	vld [tilespmem:$0x0]  }
0x191: {  	_ =	swait.ge [sflag:s4], $0x8000  }
0x192: {  	[sflag:s4] =	ssyncset.done $0x0  }
0x193: {  	[sflag:s4] =	ssyncadd.s32 $0xFFFF8000  }
0x194: {  	_ =	swait.ge [sflag:s4], $0x8000  }
0x195: {  	[sflag:s4] =	ssyncset.done $0x0  }
0x196: {  	[sflag:s4] =	ssyncadd.s32 $0xFFFF8000  }
0x197: {  	_ =	swait.ge [sflag:s4], $0x8000  }
0x198: {  	[sflag:s4] =	ssyncset.done $0x0  }
0x199: {  	[sflag:s4] =	ssyncadd.s32 $0xFFFF8000  }
0x19a: {  	_ =	swait.ge [sflag:s4], $0x8000  }
0x19b: {  	[sflag:s4] =	ssyncset.done $0x0  }
0x19c: {  	s1 =	rddreg [dreg:$0x13];
	[sflag:s4] =	ssyncadd.s32 $0xFFFF8000  }
0x19d: {  	[tilespmem:s2], [sflag:$0x1] =	stream.linear.gather [hbm4b:s1+s2], $0x8000, $0x38;
	v63 =	vld [tilespmem:$0x0]  }
0x19e: {  	_ =	swait.ge [sflag:s26], $0x1000  }
0x19f: {  	[sflag:s26] =	ssyncset.done $0x0  }
0x1a0: {  	s31 =	sor.u32 $0x1C08, s24;
	s30 =	rddreg [dreg:$0x14];
	[sflag:s26] =	ssyncadd.s32 $0xFFFFF000  }
0x1a1: {  	[hbm:s30], [sflag:s31] =	dma.local [spmem:s25], $0x1000  }
0x1a2: {  	s0 =	rddreg [dreg:$0x15]  }
0x1a3: {  	[hbm:s0], [sflag:s31] =	dma.local [spmem:s25], $0x1000  }
0x1a4: {  	s0 =	rddreg [dreg:$0x16]  }
0x1a5: {  	[hbm:s0], [sflag:s31] =	dma.local [spmem:s25], $0x1000  }
0x1a6: {  	s0 =	rddreg [dreg:$0x17]  }
0x1a7: {  	[hbm:s0], [sflag:s31] =	dma.local [spmem:s25], $0x1000  }
0x1a8: {  	_ =	swait.ge [sflag:s3], $0x1000  }
0x1a9: {  	[sflag:s3] =	ssyncset.done $0x0  }
0x1aa: {  	[sflag:s3] =	ssyncadd.s32 $0xFFFFF000  }
0x1ab: {  	_ =	swait.ge [sflag:s3], $0x1000  }
0x1ac: {  	[sflag:s3] =	ssyncset.done $0x0  }
0x1ad: {  	[sflag:s3] =	ssyncadd.s32 $0xFFFFF000  }
0x1ae: {  	_ =	swait.ge [sflag:s3], $0x1000  }
0x1af: {  	[sflag:s3] =	ssyncset.done $0x0  }
0x1b0: {  	[sflag:s3] =	ssyncadd.s32 $0xFFFFF000  }
0x1b1: {  	_ =	swait.ge [sflag:s3], $0x1000  }
0x1b2: {  	[sflag:s3] =	ssyncset.done $0x0  }
0x1b3: {  	s1 =	rddreg [dreg:$0x18];
	[sflag:s3] =	ssyncadd.s32 $0xFFFFF000  }
0x1b4: {  	[spmem:s20], [sflag:s21] =	dma.local [hbm:s1], $0x1000  }
0x1b5: {  	_ =	swait.ge [sflag:s10], $0x8000  }
0x1b6: {  	[sflag:s10] =	ssyncset.done $0x0  }
0x1b7: {  	s21 =	rddreg [dreg:$0x19];
	[sflag:s10] =	ssyncadd.s32 $0xFFFF8000  }
0x1b8: {  	[hbm4b:s21+s2] =	stream.linear.scatter [tilespmem:s2], [sflag:$0x3], $0x8000, $0x38;
	v63 =	vld [tilespmem:$0x0]  }
0x1b9: {  	s24 =	rddreg [dreg:$0x1a]  }
0x1ba: {  	[hbm4b:s24+s2] =	stream.linear.scatter [tilespmem:s2], [sflag:$0x3], $0x8000, $0x38;
	v63 =	vld [tilespmem:$0x0]  }
0x1bb: {  	s25 =	rddreg [dreg:$0x1b]  }
0x1bc: {  	[hbm4b:s25+s2] =	stream.linear.scatter [tilespmem:s2], [sflag:$0x3], $0x8000, $0x38;
	v63 =	vld [tilespmem:$0x0]  }
0x1bd: {  	s26 =	rddreg [dreg:$0x1c]  }
0x1be: {  	[hbm4b:s26+s2] =	stream.linear.scatter [tilespmem:s2], [sflag:$0x3], $0x8000, $0x38;
	v63 =	vld [tilespmem:$0x0]  }
0x1bf: {  	_ =	swait.ge [sflag:s22], $0x8000  }
0x1c0: {  	[sflag:s22] =	ssyncset.done $0x0  }
0x1c1: {  	[sflag:s22] =	ssyncadd.s32 $0xFFFF8000  }
0x1c2: {  	_ =	swait.ge [sflag:s22], $0x8000  }
0x1c3: {  	[sflag:s22] =	ssyncset.done $0x0  }
0x1c4: {  	[sflag:s22] =	ssyncadd.s32 $0xFFFF8000  }
0x1c5: {  	_ =	swait.ge [sflag:s22], $0x8000  }
0x1c6: {  	[sflag:s22] =	ssyncset.done $0x0  }
0x1c7: {  	[sflag:s22] =	ssyncadd.s32 $0xFFFF8000  }
0x1c8: {  	_ =	swait.ge [sflag:s22], $0x8000  }
0x1c9: {  	[sflag:s22] =	ssyncset.done $0x0  }
0x1ca: {  	s30 =	rddreg [dreg:$0x1d];
	[sflag:s22] =	ssyncadd.s32 $0xFFFF8000  }
0x1cb: {  	[tilespmem:s17], [sflag:$0x2] =	stream.linear.gather [hbm4b:s30+s2], $0x8000, $0x38;
	v63 =	vld [tilespmem:$0x0]  }
0x1cc: {  	_ =	swait.ge [sflag:s19], $0x1000  }
0x1cd: {  	[sflag:s19] =	ssyncset.done $0x0  }
0x1ce: {  	s31 =	rddreg [dreg:$0x1e];
	[sflag:s19] =	ssyncadd.s32 $0xFFFFF000  }
0x1cf: {  	[hbm:s31], [sflag:s23] =	dma.local [spmem:s20], $0x1000  }
0x1d0: {  	s0 =	rddreg [dreg:$0x1f]  }
0x1d1: {  	[hbm:s0], [sflag:s23] =	dma.local [spmem:s20], $0x1000  }
0x1d2: {  	[hbm:s15], [sflag:s23] =	dma.local [spmem:s20], $0x1000  }
0x1d3: {  	[hbm:s16], [sflag:s23] =	dma.local [spmem:s20], $0x1000  }
0x1d4: {  	_ =	swait.ge [sflag:s18], $0x8000  }
0x1d5: {  	[sflag:s18] =	ssyncset.done $0x0  }
0x1d6: {  	[sflag:s18] =	ssyncadd.s32 $0xFFFF8000  }
0x1d7: {  	[hbm4b:s11+s2] =	stream.linear.scatter [tilespmem:s17], [sflag:$0x4], $0x8000, $0x38;
	v63 =	vld [tilespmem:$0x0]  }
0x1d8: {  	_ = 	snop  }
0x1d9: {  	[hbm4b:s12+s2] =	stream.linear.scatter [tilespmem:s17], [sflag:$0x4], $0x8000, $0x38;
	v63 =	vld [tilespmem:$0x0]  }
0x1da: {  	_ = 	snop  }
0x1db: {  	[hbm4b:s13+s2] =	stream.linear.scatter [tilespmem:s17], [sflag:$0x4], $0x8000, $0x38;
	v63 =	vld [tilespmem:$0x0]  }
0x1dc: {  	_ = 	snop  }
0x1dd: {  	[hbm4b:s14+s2] =	stream.linear.scatter [tilespmem:s17], [sflag:$0x4], $0x8000, $0x38;
	v63 =	vld [tilespmem:$0x0]  }
0x1de: {  	_ =	swait.ge [sflag:s4], $0x8000  }
0x1df: {  	[sflag:s4] =	ssyncset.done $0x0  }
0x1e0: {  	[sflag:s4] =	ssyncadd.s32 $0xFFFF8000  }
0x1e1: {  	_ =	swait.ge [sflag:s4], $0x8000  }
0x1e2: {  	[sflag:s4] =	ssyncset.done $0x0  }
0x1e3: {  	[sflag:s4] =	ssyncadd.s32 $0xFFFF8000  }
0x1e4: {  	_ =	swait.ge [sflag:s4], $0x8000  }
0x1e5: {  	[sflag:s4] =	ssyncset.done $0x0  }
0x1e6: {  	[sflag:s4] =	ssyncadd.s32 $0xFFFF8000  }
0x1e7: {  	_ =	swait.ge [sflag:s4], $0x8000  }
0x1e8: {  	[sflag:s4] =	ssyncset.done $0x0  }
0x1e9: {  	[sflag:s4] =	ssyncadd.s32 $0xFFFF8000  }
0x1ea: {  	[tilespmem:s2], [sflag:$0x1] =	stream.linear.gather [hbm4b:s9+s2], $0x8000, $0x38;
	v63 =	vld [tilespmem:$0x0]  }
0x1eb: {  	_ =	swait.ge [sflag:s10], $0x8000  }
0x1ec: {  	[sflag:s10] =	ssyncset.done $0x0  }
0x1ed: {  	[sflag:s10] =	ssyncadd.s32 $0xFFFF8000  }
0x1ee: {  	[hbm4b:s5+s2] =	stream.linear.scatter [tilespmem:s2], [sflag:$0x3], $0x8000, $0x38;
	v63 =	vld [tilespmem:$0x0]  }
0x1ef: {  	_ = 	snop  }
0x1f0: {  	[hbm4b:s6+s2] =	stream.linear.scatter [tilespmem:s2], [sflag:$0x3], $0x8000, $0x38;
	v63 =	vld [tilespmem:$0x0]  }
0x1f1: {  	_ = 	snop  }
0x1f2: {  	[hbm4b:s7+s2] =	stream.linear.scatter [tilespmem:s2], [sflag:$0x3], $0x8000, $0x38;
	v63 =	vld [tilespmem:$0x0]  }
0x1f3: {  	_ = 	snop  }
0x1f4: {  	[hbm4b:s8+s2] =	stream.linear.scatter [tilespmem:s2], [sflag:$0x3], $0x8000, $0x38;
	v63 =	vld [tilespmem:$0x0]  }
0x1f5: {  	_ =	swait.ge [sflag:s4], $0x8000  }
0x1f6: {  	[sflag:s4] =	ssyncset.done $0x0  }
0x1f7: {  	[sflag:s4] =	ssyncadd.s32 $0xFFFF8000  }
0x1f8: {  	_ =	swait.ge [sflag:s4], $0x8000  }
0x1f9: {  	[sflag:s4] =	ssyncset.done $0x0  }
0x1fa: {  	[sflag:s4] =	ssyncadd.s32 $0xFFFF8000  }
0x1fb: {  	_ =	swait.ge [sflag:s4], $0x8000  }
0x1fc: {  	[sflag:s4] =	ssyncset.done $0x0  }
0x1fd: {  	[sflag:s4] =	ssyncadd.s32 $0xFFFF8000  }
0x1fe: {  	_ =	swait.ge [sflag:s4], $0x8000  }
0x1ff: {  	[sflag:s4] =	ssyncset.done $0x0  }
0x200: {  	[sflag:s4] =	ssyncadd.s32 $0xFFFF8000  }
0x201: {  	_ =	swait.ge [sflag:s3], $0x1000  }
0x202: {  	[sflag:s3] =	ssyncset.done $0x0  }
0x203: {  	[sflag:s3] =	ssyncadd.s32 $0xFFFFF000  }
0x204: {  	_ =	swait.ge [sflag:s3], $0x1000  }
0x205: {  	[sflag:s3] =	ssyncset.done $0x0  }
0x206: {  	[sflag:s3] =	ssyncadd.s32 $0xFFFFF000  }
0x207: {  	_ =	swait.ge [sflag:s3], $0x1000  }
0x208: {  	[sflag:s3] =	ssyncset.done $0x0  }
0x209: {  	[sflag:s3] =	ssyncadd.s32 $0xFFFFF000  }
0x20a: {  	_ =	swait.ge [sflag:s3], $0x1000  }
0x20b: {  	[sflag:s3] =	ssyncset.done $0x0  }
0x20c: {  	[sflag:s3] =	ssyncadd.s32 $0xFFFFF000  }
0x20d: {  	_ =	sfence.sel $0x180000  }
0x20e: {  	[bflag:$0x0] =	sbarrier.arrive $0xFFFF  }
0x20f: {  	p0 =	sne.s32 s29, $0x0;
	_ =	strace $0x90000047  }
0x210: {  	s0 =	sadd.s32 @!p0 $0x100000, s28;
	[bflag:$0x2] =	sbarrier.arrive $0xFFFF  }
0x211: {  	[sflag:s0] =	ssyncadd.tile.s32 @!p0 $0x1;
	_ =	shalt  }
.LBB2_2:
.Ltmp3:
0x212: {  	(pc) =	sbr.rel .LBB2_5-.Ltmp3, $2  }
0x213: {  	_ =	sdelay $0x2  }
0x214: {  	s28 =	rddreg [dreg:$0x3];
	s29 =	stileid.u32  }
.Lfunc_end2:
_tile_overlayer_lowered:
.L_overlay_start_2:
0x215: {  	(tag) =	ssettag $0x2  }
0x216: {  	s0 =	rddreg [dreg:$0x0];
	s2 =	stileid.u32  }
0x217: {  	s1 =	rddreg [dreg:$0x1];
	p0 =	sne.s32 s2, $0x0  }
0x218: {  	s3 =	rddreg [dreg:$0x2];
	[bflag:$0x3] =	sbarrier.arrive $0xFFFF;
	s2 =	simm.s32 @!p0 $0x1C09  }
0x219: {  	[timem:s3], [sflag:s2] =	dma.local @!p0 [hbm:s0], s1  }
0x21a: {  	s0 =	simm.s32 @!p0 $0x9  }
0x21b: {  	_ =	swait.ge @!p0 [sflag:s0], s1  }
0x21c: {  	s1 =	ssub.s32 @!p0 $0x0, s1;
	[sflag:s0] =	ssyncset.done @!p0 $0x0  }
0x21d: {  	[sflag:s0] =	ssyncadd.s32 @!p0 s1  }
0x21e: {  	[bflag:$0x3] =	sbarrier.arrive $0xFFFF  }
0x21f: {  	_ =	shalt  }

</sc_bundles>
